<compile_context>
chip_gen: v7x
topology: tpu7x:2x2x1
jax: 0.10.2.dev20260603
libtpu: 0.0.44.dev20260713+nightly
codegen_flags: <defaults>
</compile_context>

<pallas_src>
import functools

import jax
import jax.numpy as jnp
from jax import lax
from jax.experimental import pallas as pl
from jax.experimental.pallas import tpu as pltpu
from jax.experimental.pallas import tpu_sc as plsc

NC, NS = 2, 16
NW = NC * NS
B, T, D = 4096, 200, 32
TB = 4
NSTEP = T // TB
DT, DS = D // 8, 8
BT, BS = B // 128, 128

def _sc_embed(x4, token_table, pos_table):
    mesh = plsc.VectorSubcoreMesh(core_axis_name="c", subcore_axis_name="s")

    @functools.partial(
        pl.kernel,
        out_type=jax.ShapeDtypeStruct((T * DT, BT, DS * BS), jnp.float32),
        mesh=mesh,
        scratch_types=[
            pltpu.VMEM((TB, BS), jnp.int32),
            pltpu.VMEM((TB, BS), jnp.int32),
            pltpu.VMEM((TB * BS, D), jnp.float32),
            pltpu.VMEM((TB * BS, D), jnp.float32),
            pltpu.VMEM((TB * DT, DS * BS), jnp.float32),
            pltpu.VMEM((TB * DT, DS * BS), jnp.float32),
            pltpu.VMEM((D * 513,), jnp.float32),
            pltpu.VMEM((T, D), jnp.float32),
            pltpu.SemaphoreType.DMA,
            pltpu.SemaphoreType.DMA,
            pltpu.SemaphoreType.DMA,
            pltpu.SemaphoreType.DMA,
            pltpu.SemaphoreType.DMA,
            pltpu.SemaphoreType.DMA,
            pltpu.SemaphoreType.REGULAR,
        ],
        compiler_params=pltpu.CompilerParams(use_tc_tiling_on_sc=False,
                                             needs_layout_passes=False,
                                             disable_bounds_checks=True),
    )
    def k(x_hbm, tok_hbm, pos_hbm, out_hbm,
          idx_a, idx_b, rows_a, rows_b, trans_a, trans_b, stg, pos_v,
          si_a, si_b, sg_a, sg_b, so_a, so_b, fence_sem):
        w = lax.axis_index("s") * NC + lax.axis_index("c")
        pltpu.sync_copy(pos_hbm, pos_v)

        iota = lax.iota(jnp.int32, 16)
        ia = [(iota + h * 16) * 513 for h in (0, 1)]

        def start_idx(i, idx_v, si):
            tt = i // 2
            hs = (i % 2) * TB
            pltpu.async_copy(x_hbm.at[tt, w, pl.ds(hs, TB)], idx_v, si)

        def fire_gathers(idx_v, rows_v, sg):
            for r in range(TB):
                pltpu.async_copy(tok_hbm.at[idx_v.at[r]],
                                 rows_v.at[pl.ds(r * BS, BS)], sg)

        def wait_gathers(idx_v, rows_v, sg):
            for r in range(TB):
                pltpu.make_async_copy(tok_hbm.at[idx_v.at[r]],
                                      rows_v.at[pl.ds(r * BS, BS)], sg).wait()

        def fence():
            pltpu.semaphore_signal(fence_sem, 1)
            pl.semaphore_wait(fence_sem, 1)

        def compute(i, rows_v, trans_v):
            @pl.loop(0, TB)
            def _t(tm):
                t = i * TB + tm
                pv0 = pos_v[t, pl.ds(0, 16)]
                pv1 = pos_v[t, pl.ds(16, 16)]

                @plsc.parallel_loop(0, BS, unroll=8)
                def _b(b_off):
                    r = tm * BS + b_off
                    plsc.store_scatter(stg, [ia[0] + r],
                                       rows_v[r, pl.ds(0, 16)] + pv0)
                    plsc.store_scatter(stg, [ia[1] + r],
                                       rows_v[r, pl.ds(16, 16)] + pv1)

                fence()

                @plsc.parallel_loop(0, D, unroll=4)
                def _d(d):
                    base = d * 513 + tm * BS
                    trow = tm * DT + d // 8
                    tcol = (d % 8) * BS
                    for bsg in range(8):
                        trans_v[trow, pl.ds(tcol + bsg * 16, 16)] = (
                            stg[pl.ds(base + bsg * 16, 16)])

        def start_out(i, trans_v, so):
            fence()
            pltpu.async_copy(trans_v, out_hbm.at[pl.ds(i * TB * DT, TB * DT), w],
                             so)

        def wait_out(i, trans_v, so):
            pltpu.make_async_copy(trans_v,
                                  out_hbm.at[pl.ds(i * TB * DT, TB * DT), w],
                                  so).wait()

        start_idx(0, idx_a, si_a)
        pltpu.make_async_copy(x_hbm.at[0, w, pl.ds(0, TB)], idx_a, si_a).wait()
        fire_gathers(idx_a, rows_a, sg_a)
        start_idx(1, idx_b, si_b)

        @pl.loop(0, NSTEP // 2)
        def _k(kk):
            i = 2 * kk
            pltpu.make_async_copy(
                x_hbm.at[(i + 1) // 2, w, pl.ds(((i + 1) % 2) * TB, TB)],
                idx_b, si_b).wait()
            fire_gathers(idx_b, rows_b, sg_b)
            wait_gathers(idx_a, rows_a, sg_a)
            @pl.when(kk < NSTEP // 2 - 1)
            def _():
                start_idx(i + 2, idx_a, si_a)
            @pl.when(kk > 0)
            def _():
                wait_out(i - 2, trans_a, so_a)
            compute(i, rows_a, trans_a)
            start_out(i, trans_a, so_a)

            j = i + 1
            @pl.when(kk < NSTEP // 2 - 1)
            def _():
                pltpu.make_async_copy(
                    x_hbm.at[(j + 1) // 2, w, pl.ds(((j + 1) % 2) * TB, TB)],
                    idx_a, si_a).wait()
                fire_gathers(idx_a, rows_a, sg_a)
            wait_gathers(idx_b, rows_b, sg_b)
            @pl.when(kk < NSTEP // 2 - 1)
            def _():
                start_idx(j + 2, idx_b, si_b)
            @pl.when(kk > 0)
            def _():
                wait_out(j - 2, trans_b, so_b)
            compute(j, rows_b, trans_b)
            start_out(j, trans_b, so_b)

        wait_out(NSTEP - 2, trans_a, so_a)
        wait_out(NSTEP - 1, trans_b, so_b)

    return k(x4, token_table, pos_table)


def kernel(x, token_table, pos_table):
    x4 = x.astype(jnp.int32).T.reshape(T // 8, 8, BT, BS).transpose(0, 2, 1, 3)
    out3 = _sc_embed(x4, token_table, pos_table)
    out5 = out3.reshape(T, DT, BT, DS, BS)
    return out5.transpose(2, 4, 0, 1, 3).reshape(B, T, D)

# --- scband reference (transcript-rebuilt; emitter-appended) ---
"""Pipeline reference for scband-token-and-position-embedding-46780783788546 (READ-ONLY COPY).

The authoritative reference and input builder live on the scoring server;
editing this copy changes nothing except your own understanding.
"""

import jax, jax.numpy as jnp
import numpy as np

VOCAB = 1000000
MAXLEN = 200
EMBED_DIM = 32
BATCH = 4096

def setup_inputs(seed: int = 0) -> dict:
    key = jax.random.key(seed)
    k1, k2, k3 = jax.random.split(key, 3)
    x = jax.random.randint(k1, (BATCH, MAXLEN), 0, VOCAB, dtype=jnp.int64 if jax.config.read('jax_enable_x64') else jnp.int32)
    token_table = jax.random.normal(k2, (VOCAB, EMBED_DIM), dtype=jnp.float32) * 0.02
    pos_table = jax.random.normal(k3, (MAXLEN, EMBED_DIM), dtype=jnp.float32) * 0.02
    return {"x": x, "token_table": token_table, "pos_table": pos_table}

def reference(x, token_table, pos_table):
    seqlen = x.shape[-1]
    positions = jnp.arange(0, seqlen)
    pos = jnp.take(pos_table, positions, axis=0)          # [seqlen, d]
    tok = jnp.take(token_table, x, axis=0)                # [B, seqlen, d]
    return tok + pos[None, :, :]

if __name__ == "__main__":
    import jax
    _d = setup_inputs()
    print(jax.jit(kernel)(*tuple(_d.values())))

</pallas_src>

<mosaic_0001>
#map = affine_map<(d0, d1) -> (0, 0, 0, 0)>
#map1 = affine_map<(d0, d1) -> (0, 0)>
#map2 = affine_map<(d0, d1) -> (0, 0, 0)>
module attributes {stable_mosaic.version = 14 : i64} {
  func.func @k(%arg0: i32, %arg1: i32, %arg2: memref<25x32x8x128xi32, #tpu.memory_space<hbm>>, %arg3: memref<1000000x32xf32, #tpu.memory_space<hbm>>, %arg4: memref<200x32xf32, #tpu.memory_space<hbm>>, %arg5: memref<800x32x1024xf32, #tpu.memory_space<hbm>>, %arg6: memref<4x128xi32, #tpu.memory_space<vmem>>, %arg7: memref<4x128xi32, #tpu.memory_space<vmem>>, %arg8: memref<512x32xf32, #tpu.memory_space<vmem>>, %arg9: memref<512x32xf32, #tpu.memory_space<vmem>>, %arg10: memref<16x1024xf32, #tpu.memory_space<vmem>>, %arg11: memref<16x1024xf32, #tpu.memory_space<vmem>>, %arg12: memref<16416xf32, #tpu.memory_space<vmem>>, %arg13: memref<200x32xf32, #tpu.memory_space<vmem>>, %arg14: memref<!tpu.dma_semaphore, #tpu.memory_space<semaphore_mem>>, %arg15: memref<!tpu.dma_semaphore, #tpu.memory_space<semaphore_mem>>, %arg16: memref<!tpu.dma_semaphore, #tpu.memory_space<semaphore_mem>>, %arg17: memref<!tpu.dma_semaphore, #tpu.memory_space<semaphore_mem>>, %arg18: memref<!tpu.dma_semaphore, #tpu.memory_space<semaphore_mem>>, %arg19: memref<!tpu.dma_semaphore, #tpu.memory_space<semaphore_mem>>, %arg20: memref<!tpu.semaphore, #tpu.memory_space<semaphore_mem>>) attributes {dimension_semantics = [#tpu.dimension_semantics<core_parallel>, #tpu.dimension_semantics<subcore_parallel>], iteration_bounds = array<i64: 2, 16>, scalar_prefetch = 0 : i64, scratch_operands = 15 : i64, tpu.core_type = #tpu.core_type<sc_vector_subcore>, window_params = [{transform_indices = #map}, {transform_indices = #map1}, {transform_indices = #map1}, {transform_indices = #map2}]} {
    %mul3A = arith.constant 2 : i32
    %mul3A_0 = arith.muli %arg1, %mul3A : i32
    %add3A = arith.addi %mul3A_0, %arg0 : i32
    "tpu.region"() ({
      %run_scoped3A = tpu.sem_alloc : memref<!tpu.dma_semaphore, #tpu.memory_space<semaphore_mem>>
      tpu.enqueue_dma source(%arg4 : memref<200x32xf32, #tpu.memory_space<hbm>>) target(%arg13 : memref<200x32xf32, #tpu.memory_space<vmem>>) target_semaphore(%run_scoped3A : memref<!tpu.dma_semaphore, #tpu.memory_space<semaphore_mem>>)
      tpu.wait_dma2 semaphore(%run_scoped3A : memref<!tpu.dma_semaphore, #tpu.memory_space<semaphore_mem>>) src(%arg4 : memref<200x32xf32, #tpu.memory_space<hbm>>) dst(%arg13 : memref<200x32xf32, #tpu.memory_space<vmem>>)
      tpu.yield
    }) : () -> ()
    %iota3A = tpu.iota {dimensions = array<i32: 0>} : vector<16xi32>
    %add3A_1 = arith.constant 0 : i32
    %add3A_2 = vector.broadcast %add3A_1 : i32 to vector<16xi32>
    %add3A_3 = arith.addi %iota3A, %add3A_2 : vector<16xi32>
    %mul3A_4 = arith.constant 513 : i32
    %mul3A_5 = vector.broadcast %mul3A_4 : i32 to vector<16xi32>
    %mul3A_6 = arith.muli %add3A_3, %mul3A_5 : vector<16xi32>
    %add3A_7 = arith.constant 16 : i32
    %add3A_8 = vector.broadcast %add3A_7 : i32 to vector<16xi32>
    %add3A_9 = arith.addi %iota3A, %add3A_8 : vector<16xi32>
    %mul3A_10 = arith.constant 513 : i32
    %mul3A_11 = vector.broadcast %mul3A_10 : i32 to vector<16xi32>
    %mul3A_12 = arith.muli %add3A_9, %mul3A_11 : vector<16xi32>
    %dma_start3A = arith.constant 0 : i32
    %dma_start3A_13 = arith.constant 0 : i32
    %dma_start3A_14 = arith.constant 0 : i32
    %dma_start3A_15 = tpu.memref_slice %arg2[%dma_start3A, %add3A, %dma_start3A_13, %dma_start3A_14] : memref<25x32x8x128xi32, #tpu.memory_space<hbm>> -> memref<1x1x4x128xi32, #tpu.memory_space<hbm>>
    %dma_start3A_16 = tpu.memref_squeeze %dma_start3A_15 : memref<1x1x4x128xi32, #tpu.memory_space<hbm>> -> memref<4x128xi32, #tpu.memory_space<hbm>>
    %dma_start3A_17 = arith.constant 0 : i32
    %dma_start3A_18 = arith.constant 0 : i32
    %dma_start3A_19 = tpu.memref_slice %arg2[%dma_start3A, %add3A, %dma_start3A_17, %dma_start3A_18] : memref<25x32x8x128xi32, #tpu.memory_space<hbm>> -> memref<1x1x4x128xi32, #tpu.memory_space<hbm>>
    %dma_start3A_20 = tpu.memref_squeeze %dma_start3A_19 : memref<1x1x4x128xi32, #tpu.memory_space<hbm>> -> memref<4x128xi32, #tpu.memory_space<hbm>>
    tpu.enqueue_dma source(%dma_start3A_20 : memref<4x128xi32, #tpu.memory_space<hbm>>) target(%arg6 : memref<4x128xi32, #tpu.memory_space<vmem>>) target_semaphore(%arg14 : memref<!tpu.dma_semaphore, #tpu.memory_space<semaphore_mem>>)
    %dma_wait3A = arith.constant 0 : i32
    %dma_wait3A_21 = arith.constant 0 : i32
    %dma_wait3A_22 = arith.constant 0 : i32
    %dma_wait3A_23 = tpu.memref_slice %arg2[%dma_wait3A, %add3A, %dma_wait3A_21, %dma_wait3A_22] : memref<25x32x8x128xi32, #tpu.memory_space<hbm>> -> memref<1x1x4x128xi32, #tpu.memory_space<hbm>>
    %dma_wait3A_24 = tpu.memref_squeeze %dma_wait3A_23 : memref<1x1x4x128xi32, #tpu.memory_space<hbm>> -> memref<4x128xi32, #tpu.memory_space<hbm>>
    %dma_wait3A_25 = arith.constant 0 : i32
    %dma_wait3A_26 = arith.constant 0 : i32
    %dma_wait3A_27 = tpu.memref_slice %arg2[%dma_wait3A, %add3A, %dma_wait3A_25, %dma_wait3A_26] : memref<25x32x8x128xi32, #tpu.memory_space<hbm>> -> memref<1x1x4x128xi32, #tpu.memory_space<hbm>>
    %dma_wait3A_28 = tpu.memref_squeeze %dma_wait3A_27 : memref<1x1x4x128xi32, #tpu.memory_space<hbm>> -> memref<4x128xi32, #tpu.memory_space<hbm>>
    tpu.wait_dma2 semaphore(%arg14 : memref<!tpu.dma_semaphore, #tpu.memory_space<semaphore_mem>>) src(%dma_wait3A_28 : memref<4x128xi32, #tpu.memory_space<hbm>>) dst(%arg6 : memref<4x128xi32, #tpu.memory_space<vmem>>)
    %dma_start3A_29 = arith.constant 0 : i32
    %dma_start3A_30 = arith.constant 0 : i32
    %dma_start3A_31 = arith.constant 0 : i32
    %dma_start3A_32 = tpu.memref_slice %arg8[%dma_start3A_30, %dma_start3A_31] : memref<512x32xf32, #tpu.memory_space<vmem>> -> memref<128x32xf32, #tpu.memory_space<vmem>>
    %dma_start3A_33 = arith.constant 0 : i32
    %dma_start3A_34 = tpu.memref_slice %arg6[%dma_start3A_29, %dma_start3A_33] : memref<4x128xi32, #tpu.memory_space<vmem>> -> memref<1x128xi32, #tpu.memory_space<vmem>>
    %dma_start3A_35 = tpu.memref_squeeze %dma_start3A_34 : memref<1x128xi32, #tpu.memory_space<vmem>> -> memref<128xi32, #tpu.memory_space<vmem>>
    %dma_start3A_36 = arith.constant 0 : i32
    %dma_start3A_37 = arith.constant 0 : i32
    %dma_start3A_38 = tpu.memref_slice %arg3[%dma_start3A_36, %dma_start3A_37] : memref<1000000x32xf32, #tpu.memory_space<hbm>> -> memref<1000000x32xf32, #tpu.memory_space<hbm>>
    tpu.enqueue_indirect_dma source(%dma_start3A_38 : memref<1000000x32xf32, #tpu.memory_space<hbm>>) target(%dma_start3A_32 : memref<128x32xf32, #tpu.memory_space<vmem>>) offsets(%dma_start3A_35 : memref<128xi32, #tpu.memory_space<vmem>>) semaphore(%arg16 : memref<!tpu.dma_semaphore, #tpu.memory_space<semaphore_mem>>)
    %dma_start3A_39 = arith.constant 1 : i32
    %dma_start3A_40 = arith.constant 128 : i32
    %dma_start3A_41 = arith.constant 0 : i32
    %dma_start3A_42 = tpu.memref_slice %arg8[%dma_start3A_40, %dma_start3A_41] : memref<512x32xf32, #tpu.memory_space<vmem>> -> memref<128x32xf32, #tpu.memory_space<vmem>>
    %dma_start3A_43 = arith.constant 0 : i32
    %dma_start3A_44 = tpu.memref_slice %arg6[%dma_start3A_39, %dma_start3A_43] : memref<4x128xi32, #tpu.memory_space<vmem>> -> memref<1x128xi32, #tpu.memory_space<vmem>>
    %dma_start3A_45 = tpu.memref_squeeze %dma_start3A_44 : memref<1x128xi32, #tpu.memory_space<vmem>> -> memref<128xi32, #tpu.memory_space<vmem>>
    %dma_start3A_46 = arith.constant 0 : i32
    %dma_start3A_47 = arith.constant 0 : i32
    %dma_start3A_48 = tpu.memref_slice %arg3[%dma_start3A_46, %dma_start3A_47] : memref<1000000x32xf32, #tpu.memory_space<hbm>> -> memref<1000000x32xf32, #tpu.memory_space<hbm>>
    tpu.enqueue_indirect_dma source(%dma_start3A_48 : memref<1000000x32xf32, #tpu.memory_space<hbm>>) target(%dma_start3A_42 : memref<128x32xf32, #tpu.memory_space<vmem>>) offsets(%dma_start3A_45 : memref<128xi32, #tpu.memory_space<vmem>>) semaphore(%arg16 : memref<!tpu.dma_semaphore, #tpu.memory_space<semaphore_mem>>)
    %dma_start3A_49 = arith.constant 2 : i32
    %dma_start3A_50 = arith.constant 256 : i32
    %dma_start3A_51 = arith.constant 0 : i32
    %dma_start3A_52 = tpu.memref_slice %arg8[%dma_start3A_50, %dma_start3A_51] : memref<512x32xf32, #tpu.memory_space<vmem>> -> memref<128x32xf32, #tpu.memory_space<vmem>>
    %dma_start3A_53 = arith.constant 0 : i32
    %dma_start3A_54 = tpu.memref_slice %arg6[%dma_start3A_49, %dma_start3A_53] : memref<4x128xi32, #tpu.memory_space<vmem>> -> memref<1x128xi32, #tpu.memory_space<vmem>>
    %dma_start3A_55 = tpu.memref_squeeze %dma_start3A_54 : memref<1x128xi32, #tpu.memory_space<vmem>> -> memref<128xi32, #tpu.memory_space<vmem>>
    %dma_start3A_56 = arith.constant 0 : i32
    %dma_start3A_57 = arith.constant 0 : i32
    %dma_start3A_58 = tpu.memref_slice %arg3[%dma_start3A_56, %dma_start3A_57] : memref<1000000x32xf32, #tpu.memory_space<hbm>> -> memref<1000000x32xf32, #tpu.memory_space<hbm>>
    tpu.enqueue_indirect_dma source(%dma_start3A_58 : memref<1000000x32xf32, #tpu.memory_space<hbm>>) target(%dma_start3A_52 : memref<128x32xf32, #tpu.memory_space<vmem>>) offsets(%dma_start3A_55 : memref<128xi32, #tpu.memory_space<vmem>>) semaphore(%arg16 : memref<!tpu.dma_semaphore, #tpu.memory_space<semaphore_mem>>)
    %dma_start3A_59 = arith.constant 3 : i32
    %dma_start3A_60 = arith.constant 384 : i32
    %dma_start3A_61 = arith.constant 0 : i32
    %dma_start3A_62 = tpu.memref_slice %arg8[%dma_start3A_60, %dma_start3A_61] : memref<512x32xf32, #tpu.memory_space<vmem>> -> memref<128x32xf32, #tpu.memory_space<vmem>>
    %dma_start3A_63 = arith.constant 0 : i32
    %dma_start3A_64 = tpu.memref_slice %arg6[%dma_start3A_59, %dma_start3A_63] : memref<4x128xi32, #tpu.memory_space<vmem>> -> memref<1x128xi32, #tpu.memory_space<vmem>>
    %dma_start3A_65 = tpu.memref_squeeze %dma_start3A_64 : memref<1x128xi32, #tpu.memory_space<vmem>> -> memref<128xi32, #tpu.memory_space<vmem>>
    %dma_start3A_66 = arith.constant 0 : i32
    %dma_start3A_67 = arith.constant 0 : i32
    %dma_start3A_68 = tpu.memref_slice %arg3[%dma_start3A_66, %dma_start3A_67] : memref<1000000x32xf32, #tpu.memory_space<hbm>> -> memref<1000000x32xf32, #tpu.memory_space<hbm>>
    tpu.enqueue_indirect_dma source(%dma_start3A_68 : memref<1000000x32xf32, #tpu.memory_space<hbm>>) target(%dma_start3A_62 : memref<128x32xf32, #tpu.memory_space<vmem>>) offsets(%dma_start3A_65 : memref<128xi32, #tpu.memory_space<vmem>>) semaphore(%arg16 : memref<!tpu.dma_semaphore, #tpu.memory_space<semaphore_mem>>)
    %dma_start3A_69 = arith.constant 0 : i32
    %dma_start3A_70 = arith.constant 4 : i32
    %dma_start3A_71 = arith.constant 0 : i32
    %dma_start3A_72 = tpu.memref_slice %arg2[%dma_start3A_69, %add3A, %dma_start3A_70, %dma_start3A_71] : memref<25x32x8x128xi32, #tpu.memory_space<hbm>> -> memref<1x1x4x128xi32, #tpu.memory_space<hbm>>
    %dma_start3A_73 = tpu.memref_squeeze %dma_start3A_72 : memref<1x1x4x128xi32, #tpu.memory_space<hbm>> -> memref<4x128xi32, #tpu.memory_space<hbm>>
    %dma_start3A_74 = arith.constant 4 : i32
    %dma_start3A_75 = arith.constant 0 : i32
    %dma_start3A_76 = tpu.memref_slice %arg2[%dma_start3A_69, %add3A, %dma_start3A_74, %dma_start3A_75] : memref<25x32x8x128xi32, #tpu.memory_space<hbm>> -> memref<1x1x4x128xi32, #tpu.memory_space<hbm>>
    %dma_start3A_77 = tpu.memref_squeeze %dma_start3A_76 : memref<1x1x4x128xi32, #tpu.memory_space<hbm>> -> memref<4x128xi32, #tpu.memory_space<hbm>>
    tpu.enqueue_dma source(%dma_start3A_77 : memref<4x128xi32, #tpu.memory_space<hbm>>) target(%arg7 : memref<4x128xi32, #tpu.memory_space<vmem>>) target_semaphore(%arg15 : memref<!tpu.dma_semaphore, #tpu.memory_space<semaphore_mem>>)
    %scan3A = arith.constant 0 : i32
    %scan3A_78 = arith.constant 25 : i32
    %scan3A_79 = arith.addi %scan3A, %scan3A_78 : i32
    %scan3A_80 = arith.constant 1 : i32
    scf.for %scan3A_98 = %scan3A to %scan3A_79 step %scan3A_80  : i32 {
      %mul3A_99 = arith.constant 1 : i32
      %mul3A_100 = arith.muli %scan3A_98, %mul3A_99 : i32
      %add3A_101 = arith.constant 0 : i32
      %add3A_102 = arith.addi %add3A_101, %mul3A_100 : i32
      %mul3A_103 = arith.constant 2 : i32
      %mul3A_104 = arith.muli %mul3A_103, %add3A_102 : i32
      %add3A_105 = arith.constant 1 : i32
      %add3A_106 = arith.addi %mul3A_104, %add3A_105 : i32
      %jit3A = arith.constant 2 : i32
      %div3A = arith.divsi %add3A_106, %jit3A : i32
      %sign3A = arith.constant 0 : i32
      %sign3A_107 = arith.cmpi sgt, %add3A_106, %sign3A : i32
      %sign3A_108 = arith.extui %sign3A_107 : i1 to i32
      %sign3A_109 = arith.constant 0 : i32
      %sign3A_110 = arith.cmpi slt, %add3A_106, %sign3A_109 : i32
      %sign3A_111 = arith.extui %sign3A_110 : i1 to i32
      %sign3A_112 = arith.subi %sign3A_108, %sign3A_111 : i32
      %sign3A_113 = arith.constant 0 : i32
      %sign3A_114 = arith.cmpi sgt, %jit3A, %sign3A_113 : i32
      %sign3A_115 = arith.extui %sign3A_114 : i1 to i32
      %sign3A_116 = arith.constant 0 : i32
      %sign3A_117 = arith.cmpi slt, %jit3A, %sign3A_116 : i32
      %sign3A_118 = arith.extui %sign3A_117 : i1 to i32
      %sign3A_119 = arith.subi %sign3A_115, %sign3A_118 : i32
      %ne3A = arith.cmpi ne, %sign3A_112, %sign3A_119 : i32
      %rem3A = arith.remsi %add3A_106, %jit3A : i32
      %ne3A_120 = arith.constant 0 : i32
      %ne3A_121 = arith.cmpi ne, %rem3A, %ne3A_120 : i32
      %and3A = arith.andi %ne3A, %ne3A_121 : i1
      %sub3A = arith.constant 1 : i32
      %sub3A_122 = arith.subi %div3A, %sub3A : i32
      %select_n3A = arith.select %and3A, %sub3A_122, %div3A : i32
      %add3A_123 = arith.constant 1 : i32
      %add3A_124 = arith.addi %mul3A_104, %add3A_123 : i32
      %jit3A_125 = arith.constant 2 : i32
      %eq3A = arith.constant 0 : i32
      %eq3A_126 = arith.cmpi eq, %jit3A_125, %eq3A : i32
      %jit3A_127 = arith.constant 1 : i32
      %select_n3A_128 = arith.select %eq3A_126, %jit3A_127, %jit3A_125 : i32
      %rem3A_129 = arith.remsi %add3A_124, %select_n3A_128 : i32
      %ne3A_130 = arith.constant 0 : i32
      %ne3A_131 = arith.cmpi ne, %rem3A_129, %ne3A_130 : i32
      %lt3A = arith.constant 0 : i32
      %lt3A_132 = arith.cmpi slt, %rem3A_129, %lt3A : i32
      %lt3A_133 = arith.constant 0 : i32
      %lt3A_134 = arith.cmpi slt, %select_n3A_128, %lt3A_133 : i32
      %ne3A_135 = arith.xori %lt3A_132, %lt3A_134 : i1
      %and3A_136 = arith.andi %ne3A_135, %ne3A_131 : i1
      %add3A_137 = arith.addi %rem3A_129, %select_n3A_128 : i32
      %select_n3A_138 = arith.select %and3A_136, %add3A_137, %rem3A_129 : i32
      %mul3A_139 = arith.constant 4 : i32
      %mul3A_140 = arith.muli %select_n3A_138, %mul3A_139 : i32
      %dma_wait3A_141 = arith.constant 0 : i32
      %dma_wait3A_142 = tpu.memref_slice %arg2[%select_n3A, %add3A, %mul3A_140, %dma_wait3A_141] : memref<25x32x8x128xi32, #tpu.memory_space<hbm>> -> memref<1x1x4x128xi32, #tpu.memory_space<hbm>>
      %dma_wait3A_143 = tpu.memref_squeeze %dma_wait3A_142 : memref<1x1x4x128xi32, #tpu.memory_space<hbm>> -> memref<4x128xi32, #tpu.memory_space<hbm>>
      %dma_wait3A_144 = arith.constant 0 : i32
      %dma_wait3A_145 = tpu.memref_slice %arg2[%select_n3A, %add3A, %mul3A_140, %dma_wait3A_144] : memref<25x32x8x128xi32, #tpu.memory_space<hbm>> -> memref<1x1x4x128xi32, #tpu.memory_space<hbm>>
      %dma_wait3A_146 = tpu.memref_squeeze %dma_wait3A_145 : memref<1x1x4x128xi32, #tpu.memory_space<hbm>> -> memref<4x128xi32, #tpu.memory_space<hbm>>
      tpu.wait_dma2 semaphore(%arg15 : memref<!tpu.dma_semaphore, #tpu.memory_space<semaphore_mem>>) src(%dma_wait3A_146 : memref<4x128xi32, #tpu.memory_space<hbm>>) dst(%arg7 : memref<4x128xi32, #tpu.memory_space<vmem>>)
      %dma_start3A_147 = arith.constant 0 : i32
      %dma_start3A_148 = arith.constant 0 : i32
      %dma_start3A_149 = arith.constant 0 : i32
      %dma_start3A_150 = tpu.memref_slice %arg9[%dma_start3A_148, %dma_start3A_149] : memref<512x32xf32, #tpu.memory_space<vmem>> -> memref<128x32xf32, #tpu.memory_space<vmem>>
      %dma_start3A_151 = arith.constant 0 : i32
      %dma_start3A_152 = tpu.memref_slice %arg7[%dma_start3A_147, %dma_start3A_151] : memref<4x128xi32, #tpu.memory_space<vmem>> -> memref<1x128xi32, #tpu.memory_space<vmem>>
      %dma_start3A_153 = tpu.memref_squeeze %dma_start3A_152 : memref<1x128xi32, #tpu.memory_space<vmem>> -> memref<128xi32, #tpu.memory_space<vmem>>
      %dma_start3A_154 = arith.constant 0 : i32
      %dma_start3A_155 = arith.constant 0 : i32
      %dma_start3A_156 = tpu.memref_slice %arg3[%dma_start3A_154, %dma_start3A_155] : memref<1000000x32xf32, #tpu.memory_space<hbm>> -> memref<1000000x32xf32, #tpu.memory_space<hbm>>
      tpu.enqueue_indirect_dma source(%dma_start3A_156 : memref<1000000x32xf32, #tpu.memory_space<hbm>>) target(%dma_start3A_150 : memref<128x32xf32, #tpu.memory_space<vmem>>) offsets(%dma_start3A_153 : memref<128xi32, #tpu.memory_space<vmem>>) semaphore(%arg17 : memref<!tpu.dma_semaphore, #tpu.memory_space<semaphore_mem>>)
      %dma_start3A_157 = arith.constant 1 : i32
      %dma_start3A_158 = arith.constant 128 : i32
      %dma_start3A_159 = arith.constant 0 : i32
      %dma_start3A_160 = tpu.memref_slice %arg9[%dma_start3A_158, %dma_start3A_159] : memref<512x32xf32, #tpu.memory_space<vmem>> -> memref<128x32xf32, #tpu.memory_space<vmem>>
      %dma_start3A_161 = arith.constant 0 : i32
      %dma_start3A_162 = tpu.memref_slice %arg7[%dma_start3A_157, %dma_start3A_161] : memref<4x128xi32, #tpu.memory_space<vmem>> -> memref<1x128xi32, #tpu.memory_space<vmem>>
      %dma_start3A_163 = tpu.memref_squeeze %dma_start3A_162 : memref<1x128xi32, #tpu.memory_space<vmem>> -> memref<128xi32, #tpu.memory_space<vmem>>
      %dma_start3A_164 = arith.constant 0 : i32
      %dma_start3A_165 = arith.constant 0 : i32
      %dma_start3A_166 = tpu.memref_slice %arg3[%dma_start3A_164, %dma_start3A_165] : memref<1000000x32xf32, #tpu.memory_space<hbm>> -> memref<1000000x32xf32, #tpu.memory_space<hbm>>
      tpu.enqueue_indirect_dma source(%dma_start3A_166 : memref<1000000x32xf32, #tpu.memory_space<hbm>>) target(%dma_start3A_160 : memref<128x32xf32, #tpu.memory_space<vmem>>) offsets(%dma_start3A_163 : memref<128xi32, #tpu.memory_space<vmem>>) semaphore(%arg17 : memref<!tpu.dma_semaphore, #tpu.memory_space<semaphore_mem>>)
      %dma_start3A_167 = arith.constant 2 : i32
      %dma_start3A_168 = arith.constant 256 : i32
      %dma_start3A_169 = arith.constant 0 : i32
      %dma_start3A_170 = tpu.memref_slice %arg9[%dma_start3A_168, %dma_start3A_169] : memref<512x32xf32, #tpu.memory_space<vmem>> -> memref<128x32xf32, #tpu.memory_space<vmem>>
      %dma_start3A_171 = arith.constant 0 : i32
      %dma_start3A_172 = tpu.memref_slice %arg7[%dma_start3A_167, %dma_start3A_171] : memref<4x128xi32, #tpu.memory_space<vmem>> -> memref<1x128xi32, #tpu.memory_space<vmem>>
      %dma_start3A_173 = tpu.memref_squeeze %dma_start3A_172 : memref<1x128xi32, #tpu.memory_space<vmem>> -> memref<128xi32, #tpu.memory_space<vmem>>
      %dma_start3A_174 = arith.constant 0 : i32
      %dma_start3A_175 = arith.constant 0 : i32
      %dma_start3A_176 = tpu.memref_slice %arg3[%dma_start3A_174, %dma_start3A_175] : memref<1000000x32xf32, #tpu.memory_space<hbm>> -> memref<1000000x32xf32, #tpu.memory_space<hbm>>
      tpu.enqueue_indirect_dma source(%dma_start3A_176 : memref<1000000x32xf32, #tpu.memory_space<hbm>>) target(%dma_start3A_170 : memref<128x32xf32, #tpu.memory_space<vmem>>) offsets(%dma_start3A_173 : memref<128xi32, #tpu.memory_space<vmem>>) semaphore(%arg17 : memref<!tpu.dma_semaphore, #tpu.memory_space<semaphore_mem>>)
      %dma_start3A_177 = arith.constant 3 : i32
      %dma_start3A_178 = arith.constant 384 : i32
      %dma_start3A_179 = arith.constant 0 : i32
      %dma_start3A_180 = tpu.memref_slice %arg9[%dma_start3A_178, %dma_start3A_179] : memref<512x32xf32, #tpu.memory_space<vmem>> -> memref<128x32xf32, #tpu.memory_space<vmem>>
      %dma_start3A_181 = arith.constant 0 : i32
      %dma_start3A_182 = tpu.memref_slice %arg7[%dma_start3A_177, %dma_start3A_181] : memref<4x128xi32, #tpu.memory_space<vmem>> -> memref<1x128xi32, #tpu.memory_space<vmem>>
      %dma_start3A_183 = tpu.memref_squeeze %dma_start3A_182 : memref<1x128xi32, #tpu.memory_space<vmem>> -> memref<128xi32, #tpu.memory_space<vmem>>
      %dma_start3A_184 = arith.constant 0 : i32
      %dma_start3A_185 = arith.constant 0 : i32
      %dma_start3A_186 = tpu.memref_slice %arg3[%dma_start3A_184, %dma_start3A_185] : memref<1000000x32xf32, #tpu.memory_space<hbm>> -> memref<1000000x32xf32, #tpu.memory_space<hbm>>
      tpu.enqueue_indirect_dma source(%dma_start3A_186 : memref<1000000x32xf32, #tpu.memory_space<hbm>>) target(%dma_start3A_180 : memref<128x32xf32, #tpu.memory_space<vmem>>) offsets(%dma_start3A_183 : memref<128xi32, #tpu.memory_space<vmem>>) semaphore(%arg17 : memref<!tpu.dma_semaphore, #tpu.memory_space<semaphore_mem>>)
      %dma_wait3A_187 = arith.constant 0 : i32
      %dma_wait3A_188 = arith.constant 0 : i32
      %dma_wait3A_189 = arith.constant 0 : i32
      %dma_wait3A_190 = tpu.memref_slice %arg8[%dma_wait3A_188, %dma_wait3A_189] : memref<512x32xf32, #tpu.memory_space<vmem>> -> memref<128x32xf32, #tpu.memory_space<vmem>>
      %dma_wait3A_191 = arith.constant 0 : i32
      %dma_wait3A_192 = tpu.memref_slice %arg6[%dma_wait3A_187, %dma_wait3A_191] : memref<4x128xi32, #tpu.memory_space<vmem>> -> memref<1x128xi32, #tpu.memory_space<vmem>>
      %dma_wait3A_193 = tpu.memref_squeeze %dma_wait3A_192 : memref<1x128xi32, #tpu.memory_space<vmem>> -> memref<128xi32, #tpu.memory_space<vmem>>
      %dma_wait3A_194 = arith.constant 0 : i32
      %dma_wait3A_195 = arith.constant 0 : i32
      %dma_wait3A_196 = tpu.memref_slice %arg3[%dma_wait3A_194, %dma_wait3A_195] : memref<1000000x32xf32, #tpu.memory_space<hbm>> -> memref<1000000x32xf32, #tpu.memory_space<hbm>>
      tpu.wait_indirect_dma semaphore(%arg16 : memref<!tpu.dma_semaphore, #tpu.memory_space<semaphore_mem>>) src(%dma_wait3A_196 : memref<1000000x32xf32, #tpu.memory_space<hbm>>) dst(%dma_wait3A_190 : memref<128x32xf32, #tpu.memory_space<vmem>>)
      %dma_wait3A_197 = arith.constant 1 : i32
      %dma_wait3A_198 = arith.constant 128 : i32
      %dma_wait3A_199 = arith.constant 0 : i32
      %dma_wait3A_200 = tpu.memref_slice %arg8[%dma_wait3A_198, %dma_wait3A_199] : memref<512x32xf32, #tpu.memory_space<vmem>> -> memref<128x32xf32, #tpu.memory_space<vmem>>
      %dma_wait3A_201 = arith.constant 0 : i32
      %dma_wait3A_202 = tpu.memref_slice %arg6[%dma_wait3A_197, %dma_wait3A_201] : memref<4x128xi32, #tpu.memory_space<vmem>> -> memref<1x128xi32, #tpu.memory_space<vmem>>
      %dma_wait3A_203 = tpu.memref_squeeze %dma_wait3A_202 : memref<1x128xi32, #tpu.memory_space<vmem>> -> memref<128xi32, #tpu.memory_space<vmem>>
      %dma_wait3A_204 = arith.constant 0 : i32
      %dma_wait3A_205 = arith.constant 0 : i32
      %dma_wait3A_206 = tpu.memref_slice %arg3[%dma_wait3A_204, %dma_wait3A_205] : memref<1000000x32xf32, #tpu.memory_space<hbm>> -> memref<1000000x32xf32, #tpu.memory_space<hbm>>
      tpu.wait_indirect_dma semaphore(%arg16 : memref<!tpu.dma_semaphore, #tpu.memory_space<semaphore_mem>>) src(%dma_wait3A_206 : memref<1000000x32xf32, #tpu.memory_space<hbm>>) dst(%dma_wait3A_200 : memref<128x32xf32, #tpu.memory_space<vmem>>)
      %dma_wait3A_207 = arith.constant 2 : i32
      %dma_wait3A_208 = arith.constant 256 : i32
      %dma_wait3A_209 = arith.constant 0 : i32
      %dma_wait3A_210 = tpu.memref_slice %arg8[%dma_wait3A_208, %dma_wait3A_209] : memref<512x32xf32, #tpu.memory_space<vmem>> -> memref<128x32xf32, #tpu.memory_space<vmem>>
      %dma_wait3A_211 = arith.constant 0 : i32
      %dma_wait3A_212 = tpu.memref_slice %arg6[%dma_wait3A_207, %dma_wait3A_211] : memref<4x128xi32, #tpu.memory_space<vmem>> -> memref<1x128xi32, #tpu.memory_space<vmem>>
      %dma_wait3A_213 = tpu.memref_squeeze %dma_wait3A_212 : memref<1x128xi32, #tpu.memory_space<vmem>> -> memref<128xi32, #tpu.memory_space<vmem>>
      %dma_wait3A_214 = arith.constant 0 : i32
      %dma_wait3A_215 = arith.constant 0 : i32
      %dma_wait3A_216 = tpu.memref_slice %arg3[%dma_wait3A_214, %dma_wait3A_215] : memref<1000000x32xf32, #tpu.memory_space<hbm>> -> memref<1000000x32xf32, #tpu.memory_space<hbm>>
      tpu.wait_indirect_dma semaphore(%arg16 : memref<!tpu.dma_semaphore, #tpu.memory_space<semaphore_mem>>) src(%dma_wait3A_216 : memref<1000000x32xf32, #tpu.memory_space<hbm>>) dst(%dma_wait3A_210 : memref<128x32xf32, #tpu.memory_space<vmem>>)
      %dma_wait3A_217 = arith.constant 3 : i32
      %dma_wait3A_218 = arith.constant 384 : i32
      %dma_wait3A_219 = arith.constant 0 : i32
      %dma_wait3A_220 = tpu.memref_slice %arg8[%dma_wait3A_218, %dma_wait3A_219] : memref<512x32xf32, #tpu.memory_space<vmem>> -> memref<128x32xf32, #tpu.memory_space<vmem>>
      %dma_wait3A_221 = arith.constant 0 : i32
      %dma_wait3A_222 = tpu.memref_slice %arg6[%dma_wait3A_217, %dma_wait3A_221] : memref<4x128xi32, #tpu.memory_space<vmem>> -> memref<1x128xi32, #tpu.memory_space<vmem>>
      %dma_wait3A_223 = tpu.memref_squeeze %dma_wait3A_222 : memref<1x128xi32, #tpu.memory_space<vmem>> -> memref<128xi32, #tpu.memory_space<vmem>>
      %dma_wait3A_224 = arith.constant 0 : i32
      %dma_wait3A_225 = arith.constant 0 : i32
      %dma_wait3A_226 = tpu.memref_slice %arg3[%dma_wait3A_224, %dma_wait3A_225] : memref<1000000x32xf32, #tpu.memory_space<hbm>> -> memref<1000000x32xf32, #tpu.memory_space<hbm>>
      tpu.wait_indirect_dma semaphore(%arg16 : memref<!tpu.dma_semaphore, #tpu.memory_space<semaphore_mem>>) src(%dma_wait3A_226 : memref<1000000x32xf32, #tpu.memory_space<hbm>>) dst(%dma_wait3A_220 : memref<128x32xf32, #tpu.memory_space<vmem>>)
      %lt3A_227 = arith.constant 24 : i32
      %lt3A_228 = arith.cmpi slt, %add3A_102, %lt3A_227 : i32
      %convert_element_type3A = arith.extui %lt3A_228 : i1 to i32
      %cond3A = arith.constant 0 : i32
      %cond3A_229 = arith.cmpi ne, %convert_element_type3A, %cond3A : i32
      scf.if %cond3A_229 {
        %add3A_325 = arith.constant 2 : i32
        %add3A_326 = arith.addi %mul3A_104, %add3A_325 : i32
        %jit3A_327 = arith.constant 2 : i32
        %div3A_328 = arith.divsi %add3A_326, %jit3A_327 : i32
        %sign3A_329 = arith.constant 0 : i32
        %sign3A_330 = arith.cmpi sgt, %add3A_326, %sign3A_329 : i32
        %sign3A_331 = arith.extui %sign3A_330 : i1 to i32
        %sign3A_332 = arith.constant 0 : i32
        %sign3A_333 = arith.cmpi slt, %add3A_326, %sign3A_332 : i32
        %sign3A_334 = arith.extui %sign3A_333 : i1 to i32
        %sign3A_335 = arith.subi %sign3A_331, %sign3A_334 : i32
        %sign3A_336 = arith.constant 0 : i32
        %sign3A_337 = arith.cmpi sgt, %jit3A_327, %sign3A_336 : i32
        %sign3A_338 = arith.extui %sign3A_337 : i1 to i32
        %sign3A_339 = arith.constant 0 : i32
        %sign3A_340 = arith.cmpi slt, %jit3A_327, %sign3A_339 : i32
        %sign3A_341 = arith.extui %sign3A_340 : i1 to i32
        %sign3A_342 = arith.subi %sign3A_338, %sign3A_341 : i32
        %ne3A_343 = arith.cmpi ne, %sign3A_335, %sign3A_342 : i32
        %rem3A_344 = arith.remsi %add3A_326, %jit3A_327 : i32
        %ne3A_345 = arith.constant 0 : i32
        %ne3A_346 = arith.cmpi ne, %rem3A_344, %ne3A_345 : i32
        %and3A_347 = arith.andi %ne3A_343, %ne3A_346 : i1
        %sub3A_348 = arith.constant 1 : i32
        %sub3A_349 = arith.subi %div3A_328, %sub3A_348 : i32
        %select_n3A_350 = arith.select %and3A_347, %sub3A_349, %div3A_328 : i32
        %jit3A_351 = arith.constant 2 : i32
        %eq3A_352 = arith.constant 0 : i32
        %eq3A_353 = arith.cmpi eq, %jit3A_351, %eq3A_352 : i32
        %jit3A_354 = arith.constant 1 : i32
        %select_n3A_355 = arith.select %eq3A_353, %jit3A_354, %jit3A_351 : i32
        %rem3A_356 = arith.remsi %add3A_326, %select_n3A_355 : i32
        %ne3A_357 = arith.constant 0 : i32
        %ne3A_358 = arith.cmpi ne, %rem3A_356, %ne3A_357 : i32
        %lt3A_359 = arith.constant 0 : i32
        %lt3A_360 = arith.cmpi slt, %rem3A_356, %lt3A_359 : i32
        %lt3A_361 = arith.constant 0 : i32
        %lt3A_362 = arith.cmpi slt, %select_n3A_355, %lt3A_361 : i32
        %ne3A_363 = arith.xori %lt3A_360, %lt3A_362 : i1
        %and3A_364 = arith.andi %ne3A_363, %ne3A_358 : i1
        %add3A_365 = arith.addi %rem3A_356, %select_n3A_355 : i32
        %select_n3A_366 = arith.select %and3A_364, %add3A_365, %rem3A_356 : i32
        %mul3A_367 = arith.constant 4 : i32
        %mul3A_368 = arith.muli %select_n3A_366, %mul3A_367 : i32
        %dma_start3A_369 = arith.constant 0 : i32
        %dma_start3A_370 = tpu.memref_slice %arg2[%select_n3A_350, %add3A, %mul3A_368, %dma_start3A_369] : memref<25x32x8x128xi32, #tpu.memory_space<hbm>> -> memref<1x1x4x128xi32, #tpu.memory_space<hbm>>
        %dma_start3A_371 = tpu.memref_squeeze %dma_start3A_370 : memref<1x1x4x128xi32, #tpu.memory_space<hbm>> -> memref<4x128xi32, #tpu.memory_space<hbm>>
        %dma_start3A_372 = arith.constant 0 : i32
        %dma_start3A_373 = tpu.memref_slice %arg2[%select_n3A_350, %add3A, %mul3A_368, %dma_start3A_372] : memref<25x32x8x128xi32, #tpu.memory_space<hbm>> -> memref<1x1x4x128xi32, #tpu.memory_space<hbm>>
        %dma_start3A_374 = tpu.memref_squeeze %dma_start3A_373 : memref<1x1x4x128xi32, #tpu.memory_space<hbm>> -> memref<4x128xi32, #tpu.memory_space<hbm>>
        tpu.enqueue_dma source(%dma_start3A_374 : memref<4x128xi32, #tpu.memory_space<hbm>>) target(%arg6 : memref<4x128xi32, #tpu.memory_space<vmem>>) target_semaphore(%arg14 : memref<!tpu.dma_semaphore, #tpu.memory_space<semaphore_mem>>)
      } else {
      }
      %gt3A = arith.constant 0 : i32
      %gt3A_230 = arith.cmpi sgt, %add3A_102, %gt3A : i32
      %convert_element_type3A_231 = arith.extui %gt3A_230 : i1 to i32
      %cond3A_232 = arith.constant 0 : i32
      %cond3A_233 = arith.cmpi ne, %convert_element_type3A_231, %cond3A_232 : i32
      scf.if %cond3A_233 {
        %sub3A_325 = arith.constant 2 : i32
        %sub3A_326 = arith.subi %mul3A_104, %sub3A_325 : i32
        %mul3A_327 = arith.constant 4 : i32
        %mul3A_328 = arith.muli %sub3A_326, %mul3A_327 : i32
        %mul3A_329 = arith.constant 4 : i32
        %mul3A_330 = arith.muli %mul3A_328, %mul3A_329 : i32
        %dma_wait3A_331 = arith.constant 0 : i32
        %dma_wait3A_332 = tpu.memref_slice %arg5[%mul3A_330, %add3A, %dma_wait3A_331] : memref<800x32x1024xf32, #tpu.memory_space<hbm>> -> memref<16x1x1024xf32, #tpu.memory_space<hbm>>
        %dma_wait3A_333 = tpu.memref_squeeze %dma_wait3A_332 : memref<16x1x1024xf32, #tpu.memory_space<hbm>> -> memref<16x1024xf32, #tpu.memory_space<hbm>>
        %dma_wait3A_334 = arith.constant 0 : i32
        %dma_wait3A_335 = tpu.memref_slice %arg5[%mul3A_330, %add3A, %dma_wait3A_334] : memref<800x32x1024xf32, #tpu.memory_space<hbm>> -> memref<16x1x1024xf32, #tpu.memory_space<hbm>>
        %dma_wait3A_336 = tpu.memref_squeeze %dma_wait3A_335 : memref<16x1x1024xf32, #tpu.memory_space<hbm>> -> memref<16x1024xf32, #tpu.memory_space<hbm>>
        tpu.wait_dma2 semaphore(%arg18 : memref<!tpu.dma_semaphore, #tpu.memory_space<semaphore_mem>>) src(%arg10 : memref<16x1024xf32, #tpu.memory_space<vmem>>) dst(%dma_wait3A_336 : memref<16x1024xf32, #tpu.memory_space<hbm>>)
      } else {
      }
      %scan3A_234 = arith.constant 0 : i32
      %scan3A_235 = arith.constant 4 : i32
      %scan3A_236 = arith.addi %scan3A_234, %scan3A_235 : i32
      %scan3A_237 = arith.constant 1 : i32
      scf.for %scan3A_325 = %scan3A_234 to %scan3A_236 step %scan3A_237  : i32 {
        %mul3A_326 = arith.constant 1 : i32
        %mul3A_327 = arith.muli %scan3A_325, %mul3A_326 : i32
        %add3A_328 = arith.constant 0 : i32
        %add3A_329 = arith.addi %add3A_328, %mul3A_327 : i32
        %mul3A_330 = arith.constant 4 : i32
        %mul3A_331 = arith.muli %mul3A_104, %mul3A_330 : i32
        %add3A_332 = arith.addi %mul3A_331, %add3A_329 : i32
        %get3A = arith.index_cast %add3A_332 : i32 to index
        %get3A_333 = arith.constant 0 : index
        %get3A_334 = tpu.vector_load %arg13[%get3A, %get3A_333] {strides = array<i32>} : memref<200x32xf32, #tpu.memory_space<vmem>>, vector<16xf32>,
        %get3A_335 = arith.index_cast %add3A_332 : i32 to index
        %get3A_336 = arith.constant 16 : index
        %get3A_337 = tpu.vector_load %arg13[%get3A_335, %get3A_336] {strides = array<i32>} : memref<200x32xf32, #tpu.memory_space<vmem>>, vector<16xf32>,
        %parallel_loop3A = arith.constant 0 : i32
        %parallel_loop3A_338 = arith.constant 128 : i32
        %parallel_loop3A_339 = arith.constant 1 : i32
        scf.for %parallel_loop3A_346 = %parallel_loop3A to %parallel_loop3A_338 step %parallel_loop3A_339  : i32 {
          %parallel_loop3A_347 = arith.constant 128 : i32
          %parallel_loop3A_348 = arith.muli %add3A_329, %parallel_loop3A_347 : i32
          %parallel_loop3A_349 = arith.addi %parallel_loop3A_348, %parallel_loop3A_346 : i32
          %parallel_loop3A_350 = vector.broadcast %parallel_loop3A_349 : i32 to vector<16xi32>
          %parallel_loop3A_351 = arith.addi %mul3A_6, %parallel_loop3A_350 : vector<16xi32>
          %parallel_loop3A_352 = arith.index_cast %parallel_loop3A_349 : i32 to index
          %parallel_loop3A_353 = arith.constant 0 : index
          %parallel_loop3A_354 = tpu.vector_load %arg8[%parallel_loop3A_352, %parallel_loop3A_353] {strides = array<i32>} : memref<512x32xf32, #tpu.memory_space<vmem>>, vector<16xf32>,
          %parallel_loop3A_355 = arith.addf %parallel_loop3A_354, %get3A_334 : vector<16xf32>
          tpu.vector_store_idx %arg12[%parallel_loop3A_351], %parallel_loop3A_355 : memref<16416xf32, #tpu.memory_space<vmem>>[vector<16xi32>], vector<16xf32>,
          %parallel_loop3A_356 = vector.broadcast %parallel_loop3A_349 : i32 to vector<16xi32>
          %parallel_loop3A_357 = arith.addi %mul3A_12, %parallel_loop3A_356 : vector<16xi32>
          %parallel_loop3A_358 = arith.index_cast %parallel_loop3A_349 : i32 to index
          %parallel_loop3A_359 = arith.constant 16 : index
          %parallel_loop3A_360 = tpu.vector_load %arg8[%parallel_loop3A_358, %parallel_loop3A_359] {strides = array<i32>} : memref<512x32xf32, #tpu.memory_space<vmem>>, vector<16xf32>,
          %parallel_loop3A_361 = arith.addf %parallel_loop3A_360, %get3A_337 : vector<16xf32>
          tpu.vector_store_idx %arg12[%parallel_loop3A_357], %parallel_loop3A_361 : memref<16416xf32, #tpu.memory_space<vmem>>[vector<16xi32>], vector<16xf32>,
        } {sc.loop_unroll_factor = 8 : i64, sc.parallel_access}
        %semaphore_signal3A_340 = arith.constant 1 : i32
        tpu.sem_signal %arg20, %semaphore_signal3A_340 : memref<!tpu.semaphore, #tpu.memory_space<semaphore_mem>>
        %semaphore_wait3A_341 = arith.constant 1 : i32
        %semaphore_wait3A_342 = arith.constant true
        tpu.sem_wait %arg20, %semaphore_wait3A_341 : memref<!tpu.semaphore, #tpu.memory_space<semaphore_mem>>
        %parallel_loop3A_343 = arith.constant 0 : i32
        %parallel_loop3A_344 = arith.constant 32 : i32
        %parallel_loop3A_345 = arith.constant 1 : i32
        scf.for %parallel_loop3A_346 = %parallel_loop3A_343 to %parallel_loop3A_344 step %parallel_loop3A_345  : i32 {
          %parallel_loop3A_347 = arith.constant 513 : i32
          %parallel_loop3A_348 = arith.muli %parallel_loop3A_346, %parallel_loop3A_347 : i32
          %parallel_loop3A_349 = arith.constant 128 : i32
          %parallel_loop3A_350 = arith.muli %add3A_329, %parallel_loop3A_349 : i32
          %parallel_loop3A_351 = arith.addi %parallel_loop3A_348, %parallel_loop3A_350 : i32
          %parallel_loop3A_352 = arith.constant 4 : i32
          %parallel_loop3A_353 = arith.muli %add3A_329, %parallel_loop3A_352 : i32
          %parallel_loop3A_354 = arith.constant 8 : i32
          %parallel_loop3A_355 = arith.divsi %parallel_loop3A_346, %parallel_loop3A_354 : i32
          %parallel_loop3A_356 = arith.constant 0 : i32
          %parallel_loop3A_357 = arith.cmpi sgt, %parallel_loop3A_346, %parallel_loop3A_356 : i32
          %parallel_loop3A_358 = arith.extui %parallel_loop3A_357 : i1 to i32
          %parallel_loop3A_359 = arith.constant 0 : i32
          %parallel_loop3A_360 = arith.cmpi slt, %parallel_loop3A_346, %parallel_loop3A_359 : i32
          %parallel_loop3A_361 = arith.extui %parallel_loop3A_360 : i1 to i32
          %parallel_loop3A_362 = arith.subi %parallel_loop3A_358, %parallel_loop3A_361 : i32
          %parallel_loop3A_363 = arith.constant 0 : i32
          %parallel_loop3A_364 = arith.cmpi sgt, %parallel_loop3A_354, %parallel_loop3A_363 : i32
          %parallel_loop3A_365 = arith.extui %parallel_loop3A_364 : i1 to i32
          %parallel_loop3A_366 = arith.constant 0 : i32
          %parallel_loop3A_367 = arith.cmpi slt, %parallel_loop3A_354, %parallel_loop3A_366 : i32
          %parallel_loop3A_368 = arith.extui %parallel_loop3A_367 : i1 to i32
          %parallel_loop3A_369 = arith.subi %parallel_loop3A_365, %parallel_loop3A_368 : i32
          %parallel_loop3A_370 = arith.cmpi ne, %parallel_loop3A_362, %parallel_loop3A_369 : i32
          %parallel_loop3A_371 = arith.remsi %parallel_loop3A_346, %parallel_loop3A_354 : i32
          %parallel_loop3A_372 = arith.constant 0 : i32
          %parallel_loop3A_373 = arith.cmpi ne, %parallel_loop3A_371, %parallel_loop3A_372 : i32
          %parallel_loop3A_374 = arith.andi %parallel_loop3A_370, %parallel_loop3A_373 : i1
          %parallel_loop3A_375 = arith.constant 1 : i32
          %parallel_loop3A_376 = arith.subi %parallel_loop3A_355, %parallel_loop3A_375 : i32
          %parallel_loop3A_377 = arith.select %parallel_loop3A_374, %parallel_loop3A_376, %parallel_loop3A_355 : i32
          %parallel_loop3A_378 = arith.addi %parallel_loop3A_353, %parallel_loop3A_377 : i32
          %parallel_loop3A_379 = arith.constant 8 : i32
          %parallel_loop3A_380 = arith.constant 0 : i32
          %parallel_loop3A_381 = arith.cmpi eq, %parallel_loop3A_379, %parallel_loop3A_380 : i32
          %parallel_loop3A_382 = arith.constant 1 : i32
          %parallel_loop3A_383 = arith.select %parallel_loop3A_381, %parallel_loop3A_382, %parallel_loop3A_379 : i32
          %parallel_loop3A_384 = arith.remsi %parallel_loop3A_346, %parallel_loop3A_383 : i32
          %parallel_loop3A_385 = arith.constant 0 : i32
          %parallel_loop3A_386 = arith.cmpi ne, %parallel_loop3A_384, %parallel_loop3A_385 : i32
          %parallel_loop3A_387 = arith.constant 0 : i32
          %parallel_loop3A_388 = arith.cmpi slt, %parallel_loop3A_384, %parallel_loop3A_387 : i32
          %parallel_loop3A_389 = arith.constant 0 : i32
          %parallel_loop3A_390 = arith.cmpi slt, %parallel_loop3A_383, %parallel_loop3A_389 : i32
          %parallel_loop3A_391 = arith.xori %parallel_loop3A_388, %parallel_loop3A_390 : i1
          %parallel_loop3A_392 = arith.andi %parallel_loop3A_391, %parallel_loop3A_386 : i1
          %parallel_loop3A_393 = arith.addi %parallel_loop3A_384, %parallel_loop3A_383 : i32
          %parallel_loop3A_394 = arith.select %parallel_loop3A_392, %parallel_loop3A_393, %parallel_loop3A_384 : i32
          %parallel_loop3A_395 = arith.constant 128 : i32
          %parallel_loop3A_396 = arith.muli %parallel_loop3A_394, %parallel_loop3A_395 : i32
          %parallel_loop3A_397 = arith.constant 0 : i32
          %parallel_loop3A_398 = arith.addi %parallel_loop3A_351, %parallel_loop3A_397 : i32
          %parallel_loop3A_399 = arith.index_cast %parallel_loop3A_398 : i32 to index
          %parallel_loop3A_400 = tpu.vector_load %arg12[%parallel_loop3A_399] {strides = array<i32>} : memref<16416xf32, #tpu.memory_space<vmem>>, vector<16xf32>,
          %parallel_loop3A_401 = arith.constant 0 : i32
          %parallel_loop3A_402 = arith.addi %parallel_loop3A_396, %parallel_loop3A_401 : i32
          %parallel_loop3A_403 = arith.index_cast %parallel_loop3A_378 : i32 to index
          %parallel_loop3A_404 = arith.index_cast %parallel_loop3A_402 : i32 to index
          %parallel_loop3A_405 = tpu.vector_load %arg10[%parallel_loop3A_403, %parallel_loop3A_404] {strides = array<i32>} : memref<16x1024xf32, #tpu.memory_space<vmem>>, vector<16xf32>,
          tpu.vector_store %arg10[%parallel_loop3A_403, %parallel_loop3A_404], %parallel_loop3A_400 {strides = array<i32>} : memref<16x1024xf32, #tpu.memory_space<vmem>>, vector<16xf32>,
          %parallel_loop3A_406 = arith.constant 16 : i32
          %parallel_loop3A_407 = arith.addi %parallel_loop3A_351, %parallel_loop3A_406 : i32
          %parallel_loop3A_408 = arith.index_cast %parallel_loop3A_407 : i32 to index
          %parallel_loop3A_409 = tpu.vector_load %arg12[%parallel_loop3A_408] {strides = array<i32>} : memref<16416xf32, #tpu.memory_space<vmem>>, vector<16xf32>,
          %parallel_loop3A_410 = arith.constant 16 : i32
          %parallel_loop3A_411 = arith.addi %parallel_loop3A_396, %parallel_loop3A_410 : i32
          %parallel_loop3A_412 = arith.index_cast %parallel_loop3A_378 : i32 to index
          %parallel_loop3A_413 = arith.index_cast %parallel_loop3A_411 : i32 to index
          %parallel_loop3A_414 = tpu.vector_load %arg10[%parallel_loop3A_412, %parallel_loop3A_413] {strides = array<i32>} : memref<16x1024xf32, #tpu.memory_space<vmem>>, vector<16xf32>,
          tpu.vector_store %arg10[%parallel_loop3A_412, %parallel_loop3A_413], %parallel_loop3A_409 {strides = array<i32>} : memref<16x1024xf32, #tpu.memory_space<vmem>>, vector<16xf32>,
          %parallel_loop3A_415 = arith.constant 32 : i32
          %parallel_loop3A_416 = arith.addi %parallel_loop3A_351, %parallel_loop3A_415 : i32
          %parallel_loop3A_417 = arith.index_cast %parallel_loop3A_416 : i32 to index
          %parallel_loop3A_418 = tpu.vector_load %arg12[%parallel_loop3A_417] {strides = array<i32>} : memref<16416xf32, #tpu.memory_space<vmem>>, vector<16xf32>,
          %parallel_loop3A_419 = arith.constant 32 : i32
          %parallel_loop3A_420 = arith.addi %parallel_loop3A_396, %parallel_loop3A_419 : i32
          %parallel_loop3A_421 = arith.index_cast %parallel_loop3A_378 : i32 to index
          %parallel_loop3A_422 = arith.index_cast %parallel_loop3A_420 : i32 to index
          %parallel_loop3A_423 = tpu.vector_load %arg10[%parallel_loop3A_421, %parallel_loop3A_422] {strides = array<i32>} : memref<16x1024xf32, #tpu.memory_space<vmem>>, vector<16xf32>,
          tpu.vector_store %arg10[%parallel_loop3A_421, %parallel_loop3A_422], %parallel_loop3A_418 {strides = array<i32>} : memref<16x1024xf32, #tpu.memory_space<vmem>>, vector<16xf32>,
          %parallel_loop3A_424 = arith.constant 48 : i32
          %parallel_loop3A_425 = arith.addi %parallel_loop3A_351, %parallel_loop3A_424 : i32
          %parallel_loop3A_426 = arith.index_cast %parallel_loop3A_425 : i32 to index
          %parallel_loop3A_427 = tpu.vector_load %arg12[%parallel_loop3A_426] {strides = array<i32>} : memref<16416xf32, #tpu.memory_space<vmem>>, vector<16xf32>,
          %parallel_loop3A_428 = arith.constant 48 : i32
          %parallel_loop3A_429 = arith.addi %parallel_loop3A_396, %parallel_loop3A_428 : i32
          %parallel_loop3A_430 = arith.index_cast %parallel_loop3A_378 : i32 to index
          %parallel_loop3A_431 = arith.index_cast %parallel_loop3A_429 : i32 to index
          %parallel_loop3A_432 = tpu.vector_load %arg10[%parallel_loop3A_430, %parallel_loop3A_431] {strides = array<i32>} : memref<16x1024xf32, #tpu.memory_space<vmem>>, vector<16xf32>,
          tpu.vector_store %arg10[%parallel_loop3A_430, %parallel_loop3A_431], %parallel_loop3A_427 {strides = array<i32>} : memref<16x1024xf32, #tpu.memory_space<vmem>>, vector<16xf32>,
          %parallel_loop3A_433 = arith.constant 64 : i32
          %parallel_loop3A_434 = arith.addi %parallel_loop3A_351, %parallel_loop3A_433 : i32
          %parallel_loop3A_435 = arith.index_cast %parallel_loop3A_434 : i32 to index
          %parallel_loop3A_436 = tpu.vector_load %arg12[%parallel_loop3A_435] {strides = array<i32>} : memref<16416xf32, #tpu.memory_space<vmem>>, vector<16xf32>,
          %parallel_loop3A_437 = arith.constant 64 : i32
          %parallel_loop3A_438 = arith.addi %parallel_loop3A_396, %parallel_loop3A_437 : i32
          %parallel_loop3A_439 = arith.index_cast %parallel_loop3A_378 : i32 to index
          %parallel_loop3A_440 = arith.index_cast %parallel_loop3A_438 : i32 to index
          %parallel_loop3A_441 = tpu.vector_load %arg10[%parallel_loop3A_439, %parallel_loop3A_440] {strides = array<i32>} : memref<16x1024xf32, #tpu.memory_space<vmem>>, vector<16xf32>,
          tpu.vector_store %arg10[%parallel_loop3A_439, %parallel_loop3A_440], %parallel_loop3A_436 {strides = array<i32>} : memref<16x1024xf32, #tpu.memory_space<vmem>>, vector<16xf32>,
          %parallel_loop3A_442 = arith.constant 80 : i32
          %parallel_loop3A_443 = arith.addi %parallel_loop3A_351, %parallel_loop3A_442 : i32
          %parallel_loop3A_444 = arith.index_cast %parallel_loop3A_443 : i32 to index
          %parallel_loop3A_445 = tpu.vector_load %arg12[%parallel_loop3A_444] {strides = array<i32>} : memref<16416xf32, #tpu.memory_space<vmem>>, vector<16xf32>,
          %parallel_loop3A_446 = arith.constant 80 : i32
          %parallel_loop3A_447 = arith.addi %parallel_loop3A_396, %parallel_loop3A_446 : i32
          %parallel_loop3A_448 = arith.index_cast %parallel_loop3A_378 : i32 to index
          %parallel_loop3A_449 = arith.index_cast %parallel_loop3A_447 : i32 to index
          %parallel_loop3A_450 = tpu.vector_load %arg10[%parallel_loop3A_448, %parallel_loop3A_449] {strides = array<i32>} : memref<16x1024xf32, #tpu.memory_space<vmem>>, vector<16xf32>,
          tpu.vector_store %arg10[%parallel_loop3A_448, %parallel_loop3A_449], %parallel_loop3A_445 {strides = array<i32>} : memref<16x1024xf32, #tpu.memory_space<vmem>>, vector<16xf32>,
          %parallel_loop3A_451 = arith.constant 96 : i32
          %parallel_loop3A_452 = arith.addi %parallel_loop3A_351, %parallel_loop3A_451 : i32
          %parallel_loop3A_453 = arith.index_cast %parallel_loop3A_452 : i32 to index
          %parallel_loop3A_454 = tpu.vector_load %arg12[%parallel_loop3A_453] {strides = array<i32>} : memref<16416xf32, #tpu.memory_space<vmem>>, vector<16xf32>,
          %parallel_loop3A_455 = arith.constant 96 : i32
          %parallel_loop3A_456 = arith.addi %parallel_loop3A_396, %parallel_loop3A_455 : i32
          %parallel_loop3A_457 = arith.index_cast %parallel_loop3A_378 : i32 to index
          %parallel_loop3A_458 = arith.index_cast %parallel_loop3A_456 : i32 to index
          %parallel_loop3A_459 = tpu.vector_load %arg10[%parallel_loop3A_457, %parallel_loop3A_458] {strides = array<i32>} : memref<16x1024xf32, #tpu.memory_space<vmem>>, vector<16xf32>,
          tpu.vector_store %arg10[%parallel_loop3A_457, %parallel_loop3A_458], %parallel_loop3A_454 {strides = array<i32>} : memref<16x1024xf32, #tpu.memory_space<vmem>>, vector<16xf32>,
          %parallel_loop3A_460 = arith.constant 112 : i32
          %parallel_loop3A_461 = arith.addi %parallel_loop3A_351, %parallel_loop3A_460 : i32
          %parallel_loop3A_462 = arith.index_cast %parallel_loop3A_461 : i32 to index
          %parallel_loop3A_463 = tpu.vector_load %arg12[%parallel_loop3A_462] {strides = array<i32>} : memref<16416xf32, #tpu.memory_space<vmem>>, vector<16xf32>,
          %parallel_loop3A_464 = arith.constant 112 : i32
          %parallel_loop3A_465 = arith.addi %parallel_loop3A_396, %parallel_loop3A_464 : i32
          %parallel_loop3A_466 = arith.index_cast %parallel_loop3A_378 : i32 to index
          %parallel_loop3A_467 = arith.index_cast %parallel_loop3A_465 : i32 to index
          %parallel_loop3A_468 = tpu.vector_load %arg10[%parallel_loop3A_466, %parallel_loop3A_467] {strides = array<i32>} : memref<16x1024xf32, #tpu.memory_space<vmem>>, vector<16xf32>,
          tpu.vector_store %arg10[%parallel_loop3A_466, %parallel_loop3A_467], %parallel_loop3A_463 {strides = array<i32>} : memref<16x1024xf32, #tpu.memory_space<vmem>>, vector<16xf32>,
        } {sc.loop_unroll_factor = 4 : i64, sc.parallel_access}
      }
      %scan3A_238 = arith.constant 4 : i32
      %semaphore_signal3A = arith.constant 1 : i32
      tpu.sem_signal %arg20, %semaphore_signal3A : memref<!tpu.semaphore, #tpu.memory_space<semaphore_mem>>
      %semaphore_wait3A = arith.constant 1 : i32
      %semaphore_wait3A_239 = arith.constant true
      tpu.sem_wait %arg20, %semaphore_wait3A : memref<!tpu.semaphore, #tpu.memory_space<semaphore_mem>>
      %mul3A_240 = arith.constant 4 : i32
      %mul3A_241 = arith.muli %mul3A_104, %mul3A_240 : i32
      %mul3A_242 = arith.constant 4 : i32
      %mul3A_243 = arith.muli %mul3A_241, %mul3A_242 : i32
      %dma_start3A_244 = arith.constant 0 : i32
      %dma_start3A_245 = tpu.memref_slice %arg5[%mul3A_243, %add3A, %dma_start3A_244] : memref<800x32x1024xf32, #tpu.memory_space<hbm>> -> memref<16x1x1024xf32, #tpu.memory_space<hbm>>
      %dma_start3A_246 = tpu.memref_squeeze %dma_start3A_245 : memref<16x1x1024xf32, #tpu.memory_space<hbm>> -> memref<16x1024xf32, #tpu.memory_space<hbm>>
      %dma_start3A_247 = arith.constant 0 : i32
      %dma_start3A_248 = tpu.memref_slice %arg5[%mul3A_243, %add3A, %dma_start3A_247] : memref<800x32x1024xf32, #tpu.memory_space<hbm>> -> memref<16x1x1024xf32, #tpu.memory_space<hbm>>
      %dma_start3A_249 = tpu.memref_squeeze %dma_start3A_248 : memref<16x1x1024xf32, #tpu.memory_space<hbm>> -> memref<16x1024xf32, #tpu.memory_space<hbm>>
      tpu.enqueue_dma source(%arg10 : memref<16x1024xf32, #tpu.memory_space<vmem>>) target(%dma_start3A_249 : memref<16x1024xf32, #tpu.memory_space<hbm>>) target_semaphore(%arg18 : memref<!tpu.dma_semaphore, #tpu.memory_space<semaphore_mem>>)
      %add3A_250 = arith.constant 1 : i32
      %add3A_251 = arith.addi %mul3A_104, %add3A_250 : i32
      %lt3A_252 = arith.constant 24 : i32
      %lt3A_253 = arith.cmpi slt, %add3A_102, %lt3A_252 : i32
      %convert_element_type3A_254 = arith.extui %lt3A_253 : i1 to i32
      %cond3A_255 = arith.constant 0 : i32
      %cond3A_256 = arith.cmpi ne, %convert_element_type3A_254, %cond3A_255 : i32
      scf.if %cond3A_256 {
        %add3A_325 = arith.constant 1 : i32
        %add3A_326 = arith.addi %add3A_251, %add3A_325 : i32
        %jit3A_327 = arith.constant 2 : i32
        %div3A_328 = arith.divsi %add3A_326, %jit3A_327 : i32
        %sign3A_329 = arith.constant 0 : i32
        %sign3A_330 = arith.cmpi sgt, %add3A_326, %sign3A_329 : i32
        %sign3A_331 = arith.extui %sign3A_330 : i1 to i32
        %sign3A_332 = arith.constant 0 : i32
        %sign3A_333 = arith.cmpi slt, %add3A_326, %sign3A_332 : i32
        %sign3A_334 = arith.extui %sign3A_333 : i1 to i32
        %sign3A_335 = arith.subi %sign3A_331, %sign3A_334 : i32
        %sign3A_336 = arith.constant 0 : i32
        %sign3A_337 = arith.cmpi sgt, %jit3A_327, %sign3A_336 : i32
        %sign3A_338 = arith.extui %sign3A_337 : i1 to i32
        %sign3A_339 = arith.constant 0 : i32
        %sign3A_340 = arith.cmpi slt, %jit3A_327, %sign3A_339 : i32
        %sign3A_341 = arith.extui %sign3A_340 : i1 to i32
        %sign3A_342 = arith.subi %sign3A_338, %sign3A_341 : i32
        %ne3A_343 = arith.cmpi ne, %sign3A_335, %sign3A_342 : i32
        %rem3A_344 = arith.remsi %add3A_326, %jit3A_327 : i32
        %ne3A_345 = arith.constant 0 : i32
        %ne3A_346 = arith.cmpi ne, %rem3A_344, %ne3A_345 : i32
        %and3A_347 = arith.andi %ne3A_343, %ne3A_346 : i1
        %sub3A_348 = arith.constant 1 : i32
        %sub3A_349 = arith.subi %div3A_328, %sub3A_348 : i32
        %select_n3A_350 = arith.select %and3A_347, %sub3A_349, %div3A_328 : i32
        %add3A_351 = arith.constant 1 : i32
        %add3A_352 = arith.addi %add3A_251, %add3A_351 : i32
        %jit3A_353 = arith.constant 2 : i32
        %eq3A_354 = arith.constant 0 : i32
        %eq3A_355 = arith.cmpi eq, %jit3A_353, %eq3A_354 : i32
        %jit3A_356 = arith.constant 1 : i32
        %select_n3A_357 = arith.select %eq3A_355, %jit3A_356, %jit3A_353 : i32
        %rem3A_358 = arith.remsi %add3A_352, %select_n3A_357 : i32
        %ne3A_359 = arith.constant 0 : i32
        %ne3A_360 = arith.cmpi ne, %rem3A_358, %ne3A_359 : i32
        %lt3A_361 = arith.constant 0 : i32
        %lt3A_362 = arith.cmpi slt, %rem3A_358, %lt3A_361 : i32
        %lt3A_363 = arith.constant 0 : i32
        %lt3A_364 = arith.cmpi slt, %select_n3A_357, %lt3A_363 : i32
        %ne3A_365 = arith.xori %lt3A_362, %lt3A_364 : i1
        %and3A_366 = arith.andi %ne3A_365, %ne3A_360 : i1
        %add3A_367 = arith.addi %rem3A_358, %select_n3A_357 : i32
        %select_n3A_368 = arith.select %and3A_366, %add3A_367, %rem3A_358 : i32
        %mul3A_369 = arith.constant 4 : i32
        %mul3A_370 = arith.muli %select_n3A_368, %mul3A_369 : i32
        %dma_wait3A_371 = arith.constant 0 : i32
        %dma_wait3A_372 = tpu.memref_slice %arg2[%select_n3A_350, %add3A, %mul3A_370, %dma_wait3A_371] : memref<25x32x8x128xi32, #tpu.memory_space<hbm>> -> memref<1x1x4x128xi32, #tpu.memory_space<hbm>>
        %dma_wait3A_373 = tpu.memref_squeeze %dma_wait3A_372 : memref<1x1x4x128xi32, #tpu.memory_space<hbm>> -> memref<4x128xi32, #tpu.memory_space<hbm>>
        %dma_wait3A_374 = arith.constant 0 : i32
        %dma_wait3A_375 = tpu.memref_slice %arg2[%select_n3A_350, %add3A, %mul3A_370, %dma_wait3A_374] : memref<25x32x8x128xi32, #tpu.memory_space<hbm>> -> memref<1x1x4x128xi32, #tpu.memory_space<hbm>>
        %dma_wait3A_376 = tpu.memref_squeeze %dma_wait3A_375 : memref<1x1x4x128xi32, #tpu.memory_space<hbm>> -> memref<4x128xi32, #tpu.memory_space<hbm>>
        tpu.wait_dma2 semaphore(%arg14 : memref<!tpu.dma_semaphore, #tpu.memory_space<semaphore_mem>>) src(%dma_wait3A_376 : memref<4x128xi32, #tpu.memory_space<hbm>>) dst(%arg6 : memref<4x128xi32, #tpu.memory_space<vmem>>)
        %dma_start3A_377 = arith.constant 0 : i32
        %dma_start3A_378 = arith.constant 0 : i32
        %dma_start3A_379 = arith.constant 0 : i32
        %dma_start3A_380 = tpu.memref_slice %arg8[%dma_start3A_378, %dma_start3A_379] : memref<512x32xf32, #tpu.memory_space<vmem>> -> memref<128x32xf32, #tpu.memory_space<vmem>>
        %dma_start3A_381 = arith.constant 0 : i32
        %dma_start3A_382 = tpu.memref_slice %arg6[%dma_start3A_377, %dma_start3A_381] : memref<4x128xi32, #tpu.memory_space<vmem>> -> memref<1x128xi32, #tpu.memory_space<vmem>>
        %dma_start3A_383 = tpu.memref_squeeze %dma_start3A_382 : memref<1x128xi32, #tpu.memory_space<vmem>> -> memref<128xi32, #tpu.memory_space<vmem>>
        %dma_start3A_384 = arith.constant 0 : i32
        %dma_start3A_385 = arith.constant 0 : i32
        %dma_start3A_386 = tpu.memref_slice %arg3[%dma_start3A_384, %dma_start3A_385] : memref<1000000x32xf32, #tpu.memory_space<hbm>> -> memref<1000000x32xf32, #tpu.memory_space<hbm>>
        tpu.enqueue_indirect_dma source(%dma_start3A_386 : memref<1000000x32xf32, #tpu.memory_space<hbm>>) target(%dma_start3A_380 : memref<128x32xf32, #tpu.memory_space<vmem>>) offsets(%dma_start3A_383 : memref<128xi32, #tpu.memory_space<vmem>>) semaphore(%arg16 : memref<!tpu.dma_semaphore, #tpu.memory_space<semaphore_mem>>)
        %dma_start3A_387 = arith.constant 1 : i32
        %dma_start3A_388 = arith.constant 128 : i32
        %dma_start3A_389 = arith.constant 0 : i32
        %dma_start3A_390 = tpu.memref_slice %arg8[%dma_start3A_388, %dma_start3A_389] : memref<512x32xf32, #tpu.memory_space<vmem>> -> memref<128x32xf32, #tpu.memory_space<vmem>>
        %dma_start3A_391 = arith.constant 0 : i32
        %dma_start3A_392 = tpu.memref_slice %arg6[%dma_start3A_387, %dma_start3A_391] : memref<4x128xi32, #tpu.memory_space<vmem>> -> memref<1x128xi32, #tpu.memory_space<vmem>>
        %dma_start3A_393 = tpu.memref_squeeze %dma_start3A_392 : memref<1x128xi32, #tpu.memory_space<vmem>> -> memref<128xi32, #tpu.memory_space<vmem>>
        %dma_start3A_394 = arith.constant 0 : i32
        %dma_start3A_395 = arith.constant 0 : i32
        %dma_start3A_396 = tpu.memref_slice %arg3[%dma_start3A_394, %dma_start3A_395] : memref<1000000x32xf32, #tpu.memory_space<hbm>> -> memref<1000000x32xf32, #tpu.memory_space<hbm>>
        tpu.enqueue_indirect_dma source(%dma_start3A_396 : memref<1000000x32xf32, #tpu.memory_space<hbm>>) target(%dma_start3A_390 : memref<128x32xf32, #tpu.memory_space<vmem>>) offsets(%dma_start3A_393 : memref<128xi32, #tpu.memory_space<vmem>>) semaphore(%arg16 : memref<!tpu.dma_semaphore, #tpu.memory_space<semaphore_mem>>)
        %dma_start3A_397 = arith.constant 2 : i32
        %dma_start3A_398 = arith.constant 256 : i32
        %dma_start3A_399 = arith.constant 0 : i32
        %dma_start3A_400 = tpu.memref_slice %arg8[%dma_start3A_398, %dma_start3A_399] : memref<512x32xf32, #tpu.memory_space<vmem>> -> memref<128x32xf32, #tpu.memory_space<vmem>>
        %dma_start3A_401 = arith.constant 0 : i32
        %dma_start3A_402 = tpu.memref_slice %arg6[%dma_start3A_397, %dma_start3A_401] : memref<4x128xi32, #tpu.memory_space<vmem>> -> memref<1x128xi32, #tpu.memory_space<vmem>>
        %dma_start3A_403 = tpu.memref_squeeze %dma_start3A_402 : memref<1x128xi32, #tpu.memory_space<vmem>> -> memref<128xi32, #tpu.memory_space<vmem>>
        %dma_start3A_404 = arith.constant 0 : i32
        %dma_start3A_405 = arith.constant 0 : i32
        %dma_start3A_406 = tpu.memref_slice %arg3[%dma_start3A_404, %dma_start3A_405] : memref<1000000x32xf32, #tpu.memory_space<hbm>> -> memref<1000000x32xf32, #tpu.memory_space<hbm>>
        tpu.enqueue_indirect_dma source(%dma_start3A_406 : memref<1000000x32xf32, #tpu.memory_space<hbm>>) target(%dma_start3A_400 : memref<128x32xf32, #tpu.memory_space<vmem>>) offsets(%dma_start3A_403 : memref<128xi32, #tpu.memory_space<vmem>>) semaphore(%arg16 : memref<!tpu.dma_semaphore, #tpu.memory_space<semaphore_mem>>)
        %dma_start3A_407 = arith.constant 3 : i32
        %dma_start3A_408 = arith.constant 384 : i32
        %dma_start3A_409 = arith.constant 0 : i32
        %dma_start3A_410 = tpu.memref_slice %arg8[%dma_start3A_408, %dma_start3A_409] : memref<512x32xf32, #tpu.memory_space<vmem>> -> memref<128x32xf32, #tpu.memory_space<vmem>>
        %dma_start3A_411 = arith.constant 0 : i32
        %dma_start3A_412 = tpu.memref_slice %arg6[%dma_start3A_407, %dma_start3A_411] : memref<4x128xi32, #tpu.memory_space<vmem>> -> memref<1x128xi32, #tpu.memory_space<vmem>>
        %dma_start3A_413 = tpu.memref_squeeze %dma_start3A_412 : memref<1x128xi32, #tpu.memory_space<vmem>> -> memref<128xi32, #tpu.memory_space<vmem>>
        %dma_start3A_414 = arith.constant 0 : i32
        %dma_start3A_415 = arith.constant 0 : i32
        %dma_start3A_416 = tpu.memref_slice %arg3[%dma_start3A_414, %dma_start3A_415] : memref<1000000x32xf32, #tpu.memory_space<hbm>> -> memref<1000000x32xf32, #tpu.memory_space<hbm>>
        tpu.enqueue_indirect_dma source(%dma_start3A_416 : memref<1000000x32xf32, #tpu.memory_space<hbm>>) target(%dma_start3A_410 : memref<128x32xf32, #tpu.memory_space<vmem>>) offsets(%dma_start3A_413 : memref<128xi32, #tpu.memory_space<vmem>>) semaphore(%arg16 : memref<!tpu.dma_semaphore, #tpu.memory_space<semaphore_mem>>)
      } else {
      }
      %dma_wait3A_257 = arith.constant 0 : i32
      %dma_wait3A_258 = arith.constant 0 : i32
      %dma_wait3A_259 = arith.constant 0 : i32
      %dma_wait3A_260 = tpu.memref_slice %arg9[%dma_wait3A_258, %dma_wait3A_259] : memref<512x32xf32, #tpu.memory_space<vmem>> -> memref<128x32xf32, #tpu.memory_space<vmem>>
      %dma_wait3A_261 = arith.constant 0 : i32
      %dma_wait3A_262 = tpu.memref_slice %arg7[%dma_wait3A_257, %dma_wait3A_261] : memref<4x128xi32, #tpu.memory_space<vmem>> -> memref<1x128xi32, #tpu.memory_space<vmem>>
      %dma_wait3A_263 = tpu.memref_squeeze %dma_wait3A_262 : memref<1x128xi32, #tpu.memory_space<vmem>> -> memref<128xi32, #tpu.memory_space<vmem>>
      %dma_wait3A_264 = arith.constant 0 : i32
      %dma_wait3A_265 = arith.constant 0 : i32
      %dma_wait3A_266 = tpu.memref_slice %arg3[%dma_wait3A_264, %dma_wait3A_265] : memref<1000000x32xf32, #tpu.memory_space<hbm>> -> memref<1000000x32xf32, #tpu.memory_space<hbm>>
      tpu.wait_indirect_dma semaphore(%arg17 : memref<!tpu.dma_semaphore, #tpu.memory_space<semaphore_mem>>) src(%dma_wait3A_266 : memref<1000000x32xf32, #tpu.memory_space<hbm>>) dst(%dma_wait3A_260 : memref<128x32xf32, #tpu.memory_space<vmem>>)
      %dma_wait3A_267 = arith.constant 1 : i32
      %dma_wait3A_268 = arith.constant 128 : i32
      %dma_wait3A_269 = arith.constant 0 : i32
      %dma_wait3A_270 = tpu.memref_slice %arg9[%dma_wait3A_268, %dma_wait3A_269] : memref<512x32xf32, #tpu.memory_space<vmem>> -> memref<128x32xf32, #tpu.memory_space<vmem>>
      %dma_wait3A_271 = arith.constant 0 : i32
      %dma_wait3A_272 = tpu.memref_slice %arg7[%dma_wait3A_267, %dma_wait3A_271] : memref<4x128xi32, #tpu.memory_space<vmem>> -> memref<1x128xi32, #tpu.memory_space<vmem>>
      %dma_wait3A_273 = tpu.memref_squeeze %dma_wait3A_272 : memref<1x128xi32, #tpu.memory_space<vmem>> -> memref<128xi32, #tpu.memory_space<vmem>>
      %dma_wait3A_274 = arith.constant 0 : i32
      %dma_wait3A_275 = arith.constant 0 : i32
      %dma_wait3A_276 = tpu.memref_slice %arg3[%dma_wait3A_274, %dma_wait3A_275] : memref<1000000x32xf32, #tpu.memory_space<hbm>> -> memref<1000000x32xf32, #tpu.memory_space<hbm>>
      tpu.wait_indirect_dma semaphore(%arg17 : memref<!tpu.dma_semaphore, #tpu.memory_space<semaphore_mem>>) src(%dma_wait3A_276 : memref<1000000x32xf32, #tpu.memory_space<hbm>>) dst(%dma_wait3A_270 : memref<128x32xf32, #tpu.memory_space<vmem>>)
      %dma_wait3A_277 = arith.constant 2 : i32
      %dma_wait3A_278 = arith.constant 256 : i32
      %dma_wait3A_279 = arith.constant 0 : i32
      %dma_wait3A_280 = tpu.memref_slice %arg9[%dma_wait3A_278, %dma_wait3A_279] : memref<512x32xf32, #tpu.memory_space<vmem>> -> memref<128x32xf32, #tpu.memory_space<vmem>>
      %dma_wait3A_281 = arith.constant 0 : i32
      %dma_wait3A_282 = tpu.memref_slice %arg7[%dma_wait3A_277, %dma_wait3A_281] : memref<4x128xi32, #tpu.memory_space<vmem>> -> memref<1x128xi32, #tpu.memory_space<vmem>>
      %dma_wait3A_283 = tpu.memref_squeeze %dma_wait3A_282 : memref<1x128xi32, #tpu.memory_space<vmem>> -> memref<128xi32, #tpu.memory_space<vmem>>
      %dma_wait3A_284 = arith.constant 0 : i32
      %dma_wait3A_285 = arith.constant 0 : i32
      %dma_wait3A_286 = tpu.memref_slice %arg3[%dma_wait3A_284, %dma_wait3A_285] : memref<1000000x32xf32, #tpu.memory_space<hbm>> -> memref<1000000x32xf32, #tpu.memory_space<hbm>>
      tpu.wait_indirect_dma semaphore(%arg17 : memref<!tpu.dma_semaphore, #tpu.memory_space<semaphore_mem>>) src(%dma_wait3A_286 : memref<1000000x32xf32, #tpu.memory_space<hbm>>) dst(%dma_wait3A_280 : memref<128x32xf32, #tpu.memory_space<vmem>>)
      %dma_wait3A_287 = arith.constant 3 : i32
      %dma_wait3A_288 = arith.constant 384 : i32
      %dma_wait3A_289 = arith.constant 0 : i32
      %dma_wait3A_290 = tpu.memref_slice %arg9[%dma_wait3A_288, %dma_wait3A_289] : memref<512x32xf32, #tpu.memory_space<vmem>> -> memref<128x32xf32, #tpu.memory_space<vmem>>
      %dma_wait3A_291 = arith.constant 0 : i32
      %dma_wait3A_292 = tpu.memref_slice %arg7[%dma_wait3A_287, %dma_wait3A_291] : memref<4x128xi32, #tpu.memory_space<vmem>> -> memref<1x128xi32, #tpu.memory_space<vmem>>
      %dma_wait3A_293 = tpu.memref_squeeze %dma_wait3A_292 : memref<1x128xi32, #tpu.memory_space<vmem>> -> memref<128xi32, #tpu.memory_space<vmem>>
      %dma_wait3A_294 = arith.constant 0 : i32
      %dma_wait3A_295 = arith.constant 0 : i32
      %dma_wait3A_296 = tpu.memref_slice %arg3[%dma_wait3A_294, %dma_wait3A_295] : memref<1000000x32xf32, #tpu.memory_space<hbm>> -> memref<1000000x32xf32, #tpu.memory_space<hbm>>
      tpu.wait_indirect_dma semaphore(%arg17 : memref<!tpu.dma_semaphore, #tpu.memory_space<semaphore_mem>>) src(%dma_wait3A_296 : memref<1000000x32xf32, #tpu.memory_space<hbm>>) dst(%dma_wait3A_290 : memref<128x32xf32, #tpu.memory_space<vmem>>)
      %lt3A_297 = arith.constant 24 : i32
      %lt3A_298 = arith.cmpi slt, %add3A_102, %lt3A_297 : i32
      %convert_element_type3A_299 = arith.extui %lt3A_298 : i1 to i32
      %cond3A_300 = arith.constant 0 : i32
      %cond3A_301 = arith.cmpi ne, %convert_element_type3A_299, %cond3A_300 : i32
      scf.if %cond3A_301 {
        %add3A_325 = arith.constant 2 : i32
        %add3A_326 = arith.addi %add3A_251, %add3A_325 : i32
        %jit3A_327 = arith.constant 2 : i32
        %div3A_328 = arith.divsi %add3A_326, %jit3A_327 : i32
        %sign3A_329 = arith.constant 0 : i32
        %sign3A_330 = arith.cmpi sgt, %add3A_326, %sign3A_329 : i32
        %sign3A_331 = arith.extui %sign3A_330 : i1 to i32
        %sign3A_332 = arith.constant 0 : i32
        %sign3A_333 = arith.cmpi slt, %add3A_326, %sign3A_332 : i32
        %sign3A_334 = arith.extui %sign3A_333 : i1 to i32
        %sign3A_335 = arith.subi %sign3A_331, %sign3A_334 : i32
        %sign3A_336 = arith.constant 0 : i32
        %sign3A_337 = arith.cmpi sgt, %jit3A_327, %sign3A_336 : i32
        %sign3A_338 = arith.extui %sign3A_337 : i1 to i32
        %sign3A_339 = arith.constant 0 : i32
        %sign3A_340 = arith.cmpi slt, %jit3A_327, %sign3A_339 : i32
        %sign3A_341 = arith.extui %sign3A_340 : i1 to i32
        %sign3A_342 = arith.subi %sign3A_338, %sign3A_341 : i32
        %ne3A_343 = arith.cmpi ne, %sign3A_335, %sign3A_342 : i32
        %rem3A_344 = arith.remsi %add3A_326, %jit3A_327 : i32
        %ne3A_345 = arith.constant 0 : i32
        %ne3A_346 = arith.cmpi ne, %rem3A_344, %ne3A_345 : i32
        %and3A_347 = arith.andi %ne3A_343, %ne3A_346 : i1
        %sub3A_348 = arith.constant 1 : i32
        %sub3A_349 = arith.subi %div3A_328, %sub3A_348 : i32
        %select_n3A_350 = arith.select %and3A_347, %sub3A_349, %div3A_328 : i32
        %jit3A_351 = arith.constant 2 : i32
        %eq3A_352 = arith.constant 0 : i32
        %eq3A_353 = arith.cmpi eq, %jit3A_351, %eq3A_352 : i32
        %jit3A_354 = arith.constant 1 : i32
        %select_n3A_355 = arith.select %eq3A_353, %jit3A_354, %jit3A_351 : i32
        %rem3A_356 = arith.remsi %add3A_326, %select_n3A_355 : i32
        %ne3A_357 = arith.constant 0 : i32
        %ne3A_358 = arith.cmpi ne, %rem3A_356, %ne3A_357 : i32
        %lt3A_359 = arith.constant 0 : i32
        %lt3A_360 = arith.cmpi slt, %rem3A_356, %lt3A_359 : i32
        %lt3A_361 = arith.constant 0 : i32
        %lt3A_362 = arith.cmpi slt, %select_n3A_355, %lt3A_361 : i32
        %ne3A_363 = arith.xori %lt3A_360, %lt3A_362 : i1
        %and3A_364 = arith.andi %ne3A_363, %ne3A_358 : i1
        %add3A_365 = arith.addi %rem3A_356, %select_n3A_355 : i32
        %select_n3A_366 = arith.select %and3A_364, %add3A_365, %rem3A_356 : i32
        %mul3A_367 = arith.constant 4 : i32
        %mul3A_368 = arith.muli %select_n3A_366, %mul3A_367 : i32
        %dma_start3A_369 = arith.constant 0 : i32
        %dma_start3A_370 = tpu.memref_slice %arg2[%select_n3A_350, %add3A, %mul3A_368, %dma_start3A_369] : memref<25x32x8x128xi32, #tpu.memory_space<hbm>> -> memref<1x1x4x128xi32, #tpu.memory_space<hbm>>
        %dma_start3A_371 = tpu.memref_squeeze %dma_start3A_370 : memref<1x1x4x128xi32, #tpu.memory_space<hbm>> -> memref<4x128xi32, #tpu.memory_space<hbm>>
        %dma_start3A_372 = arith.constant 0 : i32
        %dma_start3A_373 = tpu.memref_slice %arg2[%select_n3A_350, %add3A, %mul3A_368, %dma_start3A_372] : memref<25x32x8x128xi32, #tpu.memory_space<hbm>> -> memref<1x1x4x128xi32, #tpu.memory_space<hbm>>
        %dma_start3A_374 = tpu.memref_squeeze %dma_start3A_373 : memref<1x1x4x128xi32, #tpu.memory_space<hbm>> -> memref<4x128xi32, #tpu.memory_space<hbm>>
        tpu.enqueue_dma source(%dma_start3A_374 : memref<4x128xi32, #tpu.memory_space<hbm>>) target(%arg7 : memref<4x128xi32, #tpu.memory_space<vmem>>) target_semaphore(%arg15 : memref<!tpu.dma_semaphore, #tpu.memory_space<semaphore_mem>>)
      } else {
      }
      %gt3A_302 = arith.constant 0 : i32
      %gt3A_303 = arith.cmpi sgt, %add3A_102, %gt3A_302 : i32
      %convert_element_type3A_304 = arith.extui %gt3A_303 : i1 to i32
      %cond3A_305 = arith.constant 0 : i32
      %cond3A_306 = arith.cmpi ne, %convert_element_type3A_304, %cond3A_305 : i32
      scf.if %cond3A_306 {
        %sub3A_325 = arith.constant 2 : i32
        %sub3A_326 = arith.subi %add3A_251, %sub3A_325 : i32
        %mul3A_327 = arith.constant 4 : i32
        %mul3A_328 = arith.muli %sub3A_326, %mul3A_327 : i32
        %mul3A_329 = arith.constant 4 : i32
        %mul3A_330 = arith.muli %mul3A_328, %mul3A_329 : i32
        %dma_wait3A_331 = arith.constant 0 : i32
        %dma_wait3A_332 = tpu.memref_slice %arg5[%mul3A_330, %add3A, %dma_wait3A_331] : memref<800x32x1024xf32, #tpu.memory_space<hbm>> -> memref<16x1x1024xf32, #tpu.memory_space<hbm>>
        %dma_wait3A_333 = tpu.memref_squeeze %dma_wait3A_332 : memref<16x1x1024xf32, #tpu.memory_space<hbm>> -> memref<16x1024xf32, #tpu.memory_space<hbm>>
        %dma_wait3A_334 = arith.constant 0 : i32
        %dma_wait3A_335 = tpu.memref_slice %arg5[%mul3A_330, %add3A, %dma_wait3A_334] : memref<800x32x1024xf32, #tpu.memory_space<hbm>> -> memref<16x1x1024xf32, #tpu.memory_space<hbm>>
        %dma_wait3A_336 = tpu.memref_squeeze %dma_wait3A_335 : memref<16x1x1024xf32, #tpu.memory_space<hbm>> -> memref<16x1024xf32, #tpu.memory_space<hbm>>
        tpu.wait_dma2 semaphore(%arg19 : memref<!tpu.dma_semaphore, #tpu.memory_space<semaphore_mem>>) src(%arg11 : memref<16x1024xf32, #tpu.memory_space<vmem>>) dst(%dma_wait3A_336 : memref<16x1024xf32, #tpu.memory_space<hbm>>)
      } else {
      }
      %scan3A_307 = arith.constant 0 : i32
      %scan3A_308 = arith.constant 4 : i32
      %scan3A_309 = arith.addi %scan3A_307, %scan3A_308 : i32
      %scan3A_310 = arith.constant 1 : i32
      scf.for %scan3A_325 = %scan3A_307 to %scan3A_309 step %scan3A_310  : i32 {
        %mul3A_326 = arith.constant 1 : i32
        %mul3A_327 = arith.muli %scan3A_325, %mul3A_326 : i32
        %add3A_328 = arith.constant 0 : i32
        %add3A_329 = arith.addi %add3A_328, %mul3A_327 : i32
        %mul3A_330 = arith.constant 4 : i32
        %mul3A_331 = arith.muli %add3A_251, %mul3A_330 : i32
        %add3A_332 = arith.addi %mul3A_331, %add3A_329 : i32
        %get3A = arith.index_cast %add3A_332 : i32 to index
        %get3A_333 = arith.constant 0 : index
        %get3A_334 = tpu.vector_load %arg13[%get3A, %get3A_333] {strides = array<i32>} : memref<200x32xf32, #tpu.memory_space<vmem>>, vector<16xf32>,
        %get3A_335 = arith.index_cast %add3A_332 : i32 to index
        %get3A_336 = arith.constant 16 : index
        %get3A_337 = tpu.vector_load %arg13[%get3A_335, %get3A_336] {strides = array<i32>} : memref<200x32xf32, #tpu.memory_space<vmem>>, vector<16xf32>,
        %parallel_loop3A = arith.constant 0 : i32
        %parallel_loop3A_338 = arith.constant 128 : i32
        %parallel_loop3A_339 = arith.constant 1 : i32
        scf.for %parallel_loop3A_346 = %parallel_loop3A to %parallel_loop3A_338 step %parallel_loop3A_339  : i32 {
          %parallel_loop3A_347 = arith.constant 128 : i32
          %parallel_loop3A_348 = arith.muli %add3A_329, %parallel_loop3A_347 : i32
          %parallel_loop3A_349 = arith.addi %parallel_loop3A_348, %parallel_loop3A_346 : i32
          %parallel_loop3A_350 = vector.broadcast %parallel_loop3A_349 : i32 to vector<16xi32>
          %parallel_loop3A_351 = arith.addi %mul3A_6, %parallel_loop3A_350 : vector<16xi32>
          %parallel_loop3A_352 = arith.index_cast %parallel_loop3A_349 : i32 to index
          %parallel_loop3A_353 = arith.constant 0 : index
          %parallel_loop3A_354 = tpu.vector_load %arg9[%parallel_loop3A_352, %parallel_loop3A_353] {strides = array<i32>} : memref<512x32xf32, #tpu.memory_space<vmem>>, vector<16xf32>,
          %parallel_loop3A_355 = arith.addf %parallel_loop3A_354, %get3A_334 : vector<16xf32>
          tpu.vector_store_idx %arg12[%parallel_loop3A_351], %parallel_loop3A_355 : memref<16416xf32, #tpu.memory_space<vmem>>[vector<16xi32>], vector<16xf32>,
          %parallel_loop3A_356 = vector.broadcast %parallel_loop3A_349 : i32 to vector<16xi32>
          %parallel_loop3A_357 = arith.addi %mul3A_12, %parallel_loop3A_356 : vector<16xi32>
          %parallel_loop3A_358 = arith.index_cast %parallel_loop3A_349 : i32 to index
          %parallel_loop3A_359 = arith.constant 16 : index
          %parallel_loop3A_360 = tpu.vector_load %arg9[%parallel_loop3A_358, %parallel_loop3A_359] {strides = array<i32>} : memref<512x32xf32, #tpu.memory_space<vmem>>, vector<16xf32>,
          %parallel_loop3A_361 = arith.addf %parallel_loop3A_360, %get3A_337 : vector<16xf32>
          tpu.vector_store_idx %arg12[%parallel_loop3A_357], %parallel_loop3A_361 : memref<16416xf32, #tpu.memory_space<vmem>>[vector<16xi32>], vector<16xf32>,
        } {sc.loop_unroll_factor = 8 : i64, sc.parallel_access}
        %semaphore_signal3A_340 = arith.constant 1 : i32
        tpu.sem_signal %arg20, %semaphore_signal3A_340 : memref<!tpu.semaphore, #tpu.memory_space<semaphore_mem>>
        %semaphore_wait3A_341 = arith.constant 1 : i32
        %semaphore_wait3A_342 = arith.constant true
        tpu.sem_wait %arg20, %semaphore_wait3A_341 : memref<!tpu.semaphore, #tpu.memory_space<semaphore_mem>>
        %parallel_loop3A_343 = arith.constant 0 : i32
        %parallel_loop3A_344 = arith.constant 32 : i32
        %parallel_loop3A_345 = arith.constant 1 : i32
        scf.for %parallel_loop3A_346 = %parallel_loop3A_343 to %parallel_loop3A_344 step %parallel_loop3A_345  : i32 {
          %parallel_loop3A_347 = arith.constant 513 : i32
          %parallel_loop3A_348 = arith.muli %parallel_loop3A_346, %parallel_loop3A_347 : i32
          %parallel_loop3A_349 = arith.constant 128 : i32
          %parallel_loop3A_350 = arith.muli %add3A_329, %parallel_loop3A_349 : i32
          %parallel_loop3A_351 = arith.addi %parallel_loop3A_348, %parallel_loop3A_350 : i32
          %parallel_loop3A_352 = arith.constant 4 : i32
          %parallel_loop3A_353 = arith.muli %add3A_329, %parallel_loop3A_352 : i32
          %parallel_loop3A_354 = arith.constant 8 : i32
          %parallel_loop3A_355 = arith.divsi %parallel_loop3A_346, %parallel_loop3A_354 : i32
          %parallel_loop3A_356 = arith.constant 0 : i32
          %parallel_loop3A_357 = arith.cmpi sgt, %parallel_loop3A_346, %parallel_loop3A_356 : i32
          %parallel_loop3A_358 = arith.extui %parallel_loop3A_357 : i1 to i32
          %parallel_loop3A_359 = arith.constant 0 : i32
          %parallel_loop3A_360 = arith.cmpi slt, %parallel_loop3A_346, %parallel_loop3A_359 : i32
          %parallel_loop3A_361 = arith.extui %parallel_loop3A_360 : i1 to i32
          %parallel_loop3A_362 = arith.subi %parallel_loop3A_358, %parallel_loop3A_361 : i32
          %parallel_loop3A_363 = arith.constant 0 : i32
          %parallel_loop3A_364 = arith.cmpi sgt, %parallel_loop3A_354, %parallel_loop3A_363 : i32
          %parallel_loop3A_365 = arith.extui %parallel_loop3A_364 : i1 to i32
          %parallel_loop3A_366 = arith.constant 0 : i32
          %parallel_loop3A_367 = arith.cmpi slt, %parallel_loop3A_354, %parallel_loop3A_366 : i32
          %parallel_loop3A_368 = arith.extui %parallel_loop3A_367 : i1 to i32
          %parallel_loop3A_369 = arith.subi %parallel_loop3A_365, %parallel_loop3A_368 : i32
          %parallel_loop3A_370 = arith.cmpi ne, %parallel_loop3A_362, %parallel_loop3A_369 : i32
          %parallel_loop3A_371 = arith.remsi %parallel_loop3A_346, %parallel_loop3A_354 : i32
          %parallel_loop3A_372 = arith.constant 0 : i32
          %parallel_loop3A_373 = arith.cmpi ne, %parallel_loop3A_371, %parallel_loop3A_372 : i32
          %parallel_loop3A_374 = arith.andi %parallel_loop3A_370, %parallel_loop3A_373 : i1
          %parallel_loop3A_375 = arith.constant 1 : i32
          %parallel_loop3A_376 = arith.subi %parallel_loop3A_355, %parallel_loop3A_375 : i32
          %parallel_loop3A_377 = arith.select %parallel_loop3A_374, %parallel_loop3A_376, %parallel_loop3A_355 : i32
          %parallel_loop3A_378 = arith.addi %parallel_loop3A_353, %parallel_loop3A_377 : i32
          %parallel_loop3A_379 = arith.constant 8 : i32
          %parallel_loop3A_380 = arith.constant 0 : i32
          %parallel_loop3A_381 = arith.cmpi eq, %parallel_loop3A_379, %parallel_loop3A_380 : i32
          %parallel_loop3A_382 = arith.constant 1 : i32
          %parallel_loop3A_383 = arith.select %parallel_loop3A_381, %parallel_loop3A_382, %parallel_loop3A_379 : i32
          %parallel_loop3A_384 = arith.remsi %parallel_loop3A_346, %parallel_loop3A_383 : i32
          %parallel_loop3A_385 = arith.constant 0 : i32
          %parallel_loop3A_386 = arith.cmpi ne, %parallel_loop3A_384, %parallel_loop3A_385 : i32
          %parallel_loop3A_387 = arith.constant 0 : i32
          %parallel_loop3A_388 = arith.cmpi slt, %parallel_loop3A_384, %parallel_loop3A_387 : i32
          %parallel_loop3A_389 = arith.constant 0 : i32
          %parallel_loop3A_390 = arith.cmpi slt, %parallel_loop3A_383, %parallel_loop3A_389 : i32
          %parallel_loop3A_391 = arith.xori %parallel_loop3A_388, %parallel_loop3A_390 : i1
          %parallel_loop3A_392 = arith.andi %parallel_loop3A_391, %parallel_loop3A_386 : i1
          %parallel_loop3A_393 = arith.addi %parallel_loop3A_384, %parallel_loop3A_383 : i32
          %parallel_loop3A_394 = arith.select %parallel_loop3A_392, %parallel_loop3A_393, %parallel_loop3A_384 : i32
          %parallel_loop3A_395 = arith.constant 128 : i32
          %parallel_loop3A_396 = arith.muli %parallel_loop3A_394, %parallel_loop3A_395 : i32
          %parallel_loop3A_397 = arith.constant 0 : i32
          %parallel_loop3A_398 = arith.addi %parallel_loop3A_351, %parallel_loop3A_397 : i32
          %parallel_loop3A_399 = arith.index_cast %parallel_loop3A_398 : i32 to index
          %parallel_loop3A_400 = tpu.vector_load %arg12[%parallel_loop3A_399] {strides = array<i32>} : memref<16416xf32, #tpu.memory_space<vmem>>, vector<16xf32>,
          %parallel_loop3A_401 = arith.constant 0 : i32
          %parallel_loop3A_402 = arith.addi %parallel_loop3A_396, %parallel_loop3A_401 : i32
          %parallel_loop3A_403 = arith.index_cast %parallel_loop3A_378 : i32 to index
          %parallel_loop3A_404 = arith.index_cast %parallel_loop3A_402 : i32 to index
          %parallel_loop3A_405 = tpu.vector_load %arg11[%parallel_loop3A_403, %parallel_loop3A_404] {strides = array<i32>} : memref<16x1024xf32, #tpu.memory_space<vmem>>, vector<16xf32>,
          tpu.vector_store %arg11[%parallel_loop3A_403, %parallel_loop3A_404], %parallel_loop3A_400 {strides = array<i32>} : memref<16x1024xf32, #tpu.memory_space<vmem>>, vector<16xf32>,
          %parallel_loop3A_406 = arith.constant 16 : i32
          %parallel_loop3A_407 = arith.addi %parallel_loop3A_351, %parallel_loop3A_406 : i32
          %parallel_loop3A_408 = arith.index_cast %parallel_loop3A_407 : i32 to index
          %parallel_loop3A_409 = tpu.vector_load %arg12[%parallel_loop3A_408] {strides = array<i32>} : memref<16416xf32, #tpu.memory_space<vmem>>, vector<16xf32>,
          %parallel_loop3A_410 = arith.constant 16 : i32
          %parallel_loop3A_411 = arith.addi %parallel_loop3A_396, %parallel_loop3A_410 : i32
          %parallel_loop3A_412 = arith.index_cast %parallel_loop3A_378 : i32 to index
          %parallel_loop3A_413 = arith.index_cast %parallel_loop3A_411 : i32 to index
          %parallel_loop3A_414 = tpu.vector_load %arg11[%parallel_loop3A_412, %parallel_loop3A_413] {strides = array<i32>} : memref<16x1024xf32, #tpu.memory_space<vmem>>, vector<16xf32>,
          tpu.vector_store %arg11[%parallel_loop3A_412, %parallel_loop3A_413], %parallel_loop3A_409 {strides = array<i32>} : memref<16x1024xf32, #tpu.memory_space<vmem>>, vector<16xf32>,
          %parallel_loop3A_415 = arith.constant 32 : i32
          %parallel_loop3A_416 = arith.addi %parallel_loop3A_351, %parallel_loop3A_415 : i32
          %parallel_loop3A_417 = arith.index_cast %parallel_loop3A_416 : i32 to index
          %parallel_loop3A_418 = tpu.vector_load %arg12[%parallel_loop3A_417] {strides = array<i32>} : memref<16416xf32, #tpu.memory_space<vmem>>, vector<16xf32>,
          %parallel_loop3A_419 = arith.constant 32 : i32
          %parallel_loop3A_420 = arith.addi %parallel_loop3A_396, %parallel_loop3A_419 : i32
          %parallel_loop3A_421 = arith.index_cast %parallel_loop3A_378 : i32 to index
          %parallel_loop3A_422 = arith.index_cast %parallel_loop3A_420 : i32 to index
          %parallel_loop3A_423 = tpu.vector_load %arg11[%parallel_loop3A_421, %parallel_loop3A_422] {strides = array<i32>} : memref<16x1024xf32, #tpu.memory_space<vmem>>, vector<16xf32>,
          tpu.vector_store %arg11[%parallel_loop3A_421, %parallel_loop3A_422], %parallel_loop3A_418 {strides = array<i32>} : memref<16x1024xf32, #tpu.memory_space<vmem>>, vector<16xf32>,
          %parallel_loop3A_424 = arith.constant 48 : i32
          %parallel_loop3A_425 = arith.addi %parallel_loop3A_351, %parallel_loop3A_424 : i32
          %parallel_loop3A_426 = arith.index_cast %parallel_loop3A_425 : i32 to index
          %parallel_loop3A_427 = tpu.vector_load %arg12[%parallel_loop3A_426] {strides = array<i32>} : memref<16416xf32, #tpu.memory_space<vmem>>, vector<16xf32>,
          %parallel_loop3A_428 = arith.constant 48 : i32
          %parallel_loop3A_429 = arith.addi %parallel_loop3A_396, %parallel_loop3A_428 : i32
          %parallel_loop3A_430 = arith.index_cast %parallel_loop3A_378 : i32 to index
          %parallel_loop3A_431 = arith.index_cast %parallel_loop3A_429 : i32 to index
          %parallel_loop3A_432 = tpu.vector_load %arg11[%parallel_loop3A_430, %parallel_loop3A_431] {strides = array<i32>} : memref<16x1024xf32, #tpu.memory_space<vmem>>, vector<16xf32>,
          tpu.vector_store %arg11[%parallel_loop3A_430, %parallel_loop3A_431], %parallel_loop3A_427 {strides = array<i32>} : memref<16x1024xf32, #tpu.memory_space<vmem>>, vector<16xf32>,
          %parallel_loop3A_433 = arith.constant 64 : i32
          %parallel_loop3A_434 = arith.addi %parallel_loop3A_351, %parallel_loop3A_433 : i32
          %parallel_loop3A_435 = arith.index_cast %parallel_loop3A_434 : i32 to index
          %parallel_loop3A_436 = tpu.vector_load %arg12[%parallel_loop3A_435] {strides = array<i32>} : memref<16416xf32, #tpu.memory_space<vmem>>, vector<16xf32>,
          %parallel_loop3A_437 = arith.constant 64 : i32
          %parallel_loop3A_438 = arith.addi %parallel_loop3A_396, %parallel_loop3A_437 : i32
          %parallel_loop3A_439 = arith.index_cast %parallel_loop3A_378 : i32 to index
          %parallel_loop3A_440 = arith.index_cast %parallel_loop3A_438 : i32 to index
          %parallel_loop3A_441 = tpu.vector_load %arg11[%parallel_loop3A_439, %parallel_loop3A_440] {strides = array<i32>} : memref<16x1024xf32, #tpu.memory_space<vmem>>, vector<16xf32>,
          tpu.vector_store %arg11[%parallel_loop3A_439, %parallel_loop3A_440], %parallel_loop3A_436 {strides = array<i32>} : memref<16x1024xf32, #tpu.memory_space<vmem>>, vector<16xf32>,
          %parallel_loop3A_442 = arith.constant 80 : i32
          %parallel_loop3A_443 = arith.addi %parallel_loop3A_351, %parallel_loop3A_442 : i32
          %parallel_loop3A_444 = arith.index_cast %parallel_loop3A_443 : i32 to index
          %parallel_loop3A_445 = tpu.vector_load %arg12[%parallel_loop3A_444] {strides = array<i32>} : memref<16416xf32, #tpu.memory_space<vmem>>, vector<16xf32>,
          %parallel_loop3A_446 = arith.constant 80 : i32
          %parallel_loop3A_447 = arith.addi %parallel_loop3A_396, %parallel_loop3A_446 : i32
          %parallel_loop3A_448 = arith.index_cast %parallel_loop3A_378 : i32 to index
          %parallel_loop3A_449 = arith.index_cast %parallel_loop3A_447 : i32 to index
          %parallel_loop3A_450 = tpu.vector_load %arg11[%parallel_loop3A_448, %parallel_loop3A_449] {strides = array<i32>} : memref<16x1024xf32, #tpu.memory_space<vmem>>, vector<16xf32>,
          tpu.vector_store %arg11[%parallel_loop3A_448, %parallel_loop3A_449], %parallel_loop3A_445 {strides = array<i32>} : memref<16x1024xf32, #tpu.memory_space<vmem>>, vector<16xf32>,
          %parallel_loop3A_451 = arith.constant 96 : i32
          %parallel_loop3A_452 = arith.addi %parallel_loop3A_351, %parallel_loop3A_451 : i32
          %parallel_loop3A_453 = arith.index_cast %parallel_loop3A_452 : i32 to index
          %parallel_loop3A_454 = tpu.vector_load %arg12[%parallel_loop3A_453] {strides = array<i32>} : memref<16416xf32, #tpu.memory_space<vmem>>, vector<16xf32>,
          %parallel_loop3A_455 = arith.constant 96 : i32
          %parallel_loop3A_456 = arith.addi %parallel_loop3A_396, %parallel_loop3A_455 : i32
          %parallel_loop3A_457 = arith.index_cast %parallel_loop3A_378 : i32 to index
          %parallel_loop3A_458 = arith.index_cast %parallel_loop3A_456 : i32 to index
          %parallel_loop3A_459 = tpu.vector_load %arg11[%parallel_loop3A_457, %parallel_loop3A_458] {strides = array<i32>} : memref<16x1024xf32, #tpu.memory_space<vmem>>, vector<16xf32>,
          tpu.vector_store %arg11[%parallel_loop3A_457, %parallel_loop3A_458], %parallel_loop3A_454 {strides = array<i32>} : memref<16x1024xf32, #tpu.memory_space<vmem>>, vector<16xf32>,
          %parallel_loop3A_460 = arith.constant 112 : i32
          %parallel_loop3A_461 = arith.addi %parallel_loop3A_351, %parallel_loop3A_460 : i32
          %parallel_loop3A_462 = arith.index_cast %parallel_loop3A_461 : i32 to index
          %parallel_loop3A_463 = tpu.vector_load %arg12[%parallel_loop3A_462] {strides = array<i32>} : memref<16416xf32, #tpu.memory_space<vmem>>, vector<16xf32>,
          %parallel_loop3A_464 = arith.constant 112 : i32
          %parallel_loop3A_465 = arith.addi %parallel_loop3A_396, %parallel_loop3A_464 : i32
          %parallel_loop3A_466 = arith.index_cast %parallel_loop3A_378 : i32 to index
          %parallel_loop3A_467 = arith.index_cast %parallel_loop3A_465 : i32 to index
          %parallel_loop3A_468 = tpu.vector_load %arg11[%parallel_loop3A_466, %parallel_loop3A_467] {strides = array<i32>} : memref<16x1024xf32, #tpu.memory_space<vmem>>, vector<16xf32>,
          tpu.vector_store %arg11[%parallel_loop3A_466, %parallel_loop3A_467], %parallel_loop3A_463 {strides = array<i32>} : memref<16x1024xf32, #tpu.memory_space<vmem>>, vector<16xf32>,
        } {sc.loop_unroll_factor = 4 : i64, sc.parallel_access}
      }
      %scan3A_311 = arith.constant 4 : i32
      %semaphore_signal3A_312 = arith.constant 1 : i32
      tpu.sem_signal %arg20, %semaphore_signal3A_312 : memref<!tpu.semaphore, #tpu.memory_space<semaphore_mem>>
      %semaphore_wait3A_313 = arith.constant 1 : i32
      %semaphore_wait3A_314 = arith.constant true
      tpu.sem_wait %arg20, %semaphore_wait3A_313 : memref<!tpu.semaphore, #tpu.memory_space<semaphore_mem>>
      %mul3A_315 = arith.constant 4 : i32
      %mul3A_316 = arith.muli %add3A_251, %mul3A_315 : i32
      %mul3A_317 = arith.constant 4 : i32
      %mul3A_318 = arith.muli %mul3A_316, %mul3A_317 : i32
      %dma_start3A_319 = arith.constant 0 : i32
      %dma_start3A_320 = tpu.memref_slice %arg5[%mul3A_318, %add3A, %dma_start3A_319] : memref<800x32x1024xf32, #tpu.memory_space<hbm>> -> memref<16x1x1024xf32, #tpu.memory_space<hbm>>
      %dma_start3A_321 = tpu.memref_squeeze %dma_start3A_320 : memref<16x1x1024xf32, #tpu.memory_space<hbm>> -> memref<16x1024xf32, #tpu.memory_space<hbm>>
      %dma_start3A_322 = arith.constant 0 : i32
      %dma_start3A_323 = tpu.memref_slice %arg5[%mul3A_318, %add3A, %dma_start3A_322] : memref<800x32x1024xf32, #tpu.memory_space<hbm>> -> memref<16x1x1024xf32, #tpu.memory_space<hbm>>
      %dma_start3A_324 = tpu.memref_squeeze %dma_start3A_323 : memref<16x1x1024xf32, #tpu.memory_space<hbm>> -> memref<16x1024xf32, #tpu.memory_space<hbm>>
      tpu.enqueue_dma source(%arg11 : memref<16x1024xf32, #tpu.memory_space<vmem>>) target(%dma_start3A_324 : memref<16x1024xf32, #tpu.memory_space<hbm>>) target_semaphore(%arg19 : memref<!tpu.dma_semaphore, #tpu.memory_space<semaphore_mem>>)
    }
    %scan3A_81 = arith.constant 25 : i32
    %dma_wait3A_82 = arith.constant 768 : i32
    %dma_wait3A_83 = arith.constant 0 : i32
    %dma_wait3A_84 = tpu.memref_slice %arg5[%dma_wait3A_82, %add3A, %dma_wait3A_83] : memref<800x32x1024xf32, #tpu.memory_space<hbm>> -> memref<16x1x1024xf32, #tpu.memory_space<hbm>>
    %dma_wait3A_85 = tpu.memref_squeeze %dma_wait3A_84 : memref<16x1x1024xf32, #tpu.memory_space<hbm>> -> memref<16x1024xf32, #tpu.memory_space<hbm>>
    %dma_wait3A_86 = arith.constant 768 : i32
    %dma_wait3A_87 = arith.constant 0 : i32
    %dma_wait3A_88 = tpu.memref_slice %arg5[%dma_wait3A_86, %add3A, %dma_wait3A_87] : memref<800x32x1024xf32, #tpu.memory_space<hbm>> -> memref<16x1x1024xf32, #tpu.memory_space<hbm>>
    %dma_wait3A_89 = tpu.memref_squeeze %dma_wait3A_88 : memref<16x1x1024xf32, #tpu.memory_space<hbm>> -> memref<16x1024xf32, #tpu.memory_space<hbm>>
    tpu.wait_dma2 semaphore(%arg18 : memref<!tpu.dma_semaphore, #tpu.memory_space<semaphore_mem>>) src(%arg10 : memref<16x1024xf32, #tpu.memory_space<vmem>>) dst(%dma_wait3A_89 : memref<16x1024xf32, #tpu.memory_space<hbm>>)
    %dma_wait3A_90 = arith.constant 784 : i32
    %dma_wait3A_91 = arith.constant 0 : i32
    %dma_wait3A_92 = tpu.memref_slice %arg5[%dma_wait3A_90, %add3A, %dma_wait3A_91] : memref<800x32x1024xf32, #tpu.memory_space<hbm>> -> memref<16x1x1024xf32, #tpu.memory_space<hbm>>
    %dma_wait3A_93 = tpu.memref_squeeze %dma_wait3A_92 : memref<16x1x1024xf32, #tpu.memory_space<hbm>> -> memref<16x1024xf32, #tpu.memory_space<hbm>>
    %dma_wait3A_94 = arith.constant 784 : i32
    %dma_wait3A_95 = arith.constant 0 : i32
    %dma_wait3A_96 = tpu.memref_slice %arg5[%dma_wait3A_94, %add3A, %dma_wait3A_95] : memref<800x32x1024xf32, #tpu.memory_space<hbm>> -> memref<16x1x1024xf32, #tpu.memory_space<hbm>>
    %dma_wait3A_97 = tpu.memref_squeeze %dma_wait3A_96 : memref<16x1x1024xf32, #tpu.memory_space<hbm>> -> memref<16x1024xf32, #tpu.memory_space<hbm>>
    tpu.wait_dma2 semaphore(%arg19 : memref<!tpu.dma_semaphore, #tpu.memory_space<semaphore_mem>>) src(%arg11 : memref<16x1024xf32, #tpu.memory_space<vmem>>) dst(%dma_wait3A_97 : memref<16x1024xf32, #tpu.memory_space<hbm>>)
    return
  }
}

</mosaic_0001>

<sc_bundles>
// kernel: kernel.3.cloned.1.call-start
scs
__scs_entry_jumppad:
0x0: {  	(pc) =	sbr.rel $0x88, $3  }
0x1: {  	(tag) =	ssettag $0x0;
	lr =	simm.s32 $0x1  }
0x2: {  	[smem:$0x3F9E] =	sst lr;
	_ =	strace $0xD0000000  }
0x3: {  	_ = 	snop  }
0x4: {  	_ = 	snop  }
0x5: {  	_ = 	snop  }
0x6: {  	_ = 	snop  }
0x7: {  	_ = 	snop  }
__scs_overlays_trampoline_lowered:
0x8: {  	[smem:$0x3FAD] =	sst s0  }
0x9: {  	[smem:$0x3FAE] =	sst s1  }
0xa: {  	[smem:$0x3FAF] =	sst s2  }
0xb: {  	[smem:$0x3FB0] =	sst s3  }
0xc: {  	[smem:$0x3FB1] =	sst s4  }
0xd: {  	[smem:$0x3FB2] =	sst s5  }
0xe: {  	[smem:$0x3FB3] =	sst s6  }
0xf: {  	[smem:$0x3FB4] =	sst s7  }
0x10: {  	[smem:$0x3FB5] =	sst s8  }
0x11: {  	[smem:$0x3FB6] =	sst s9;
	s0 =	simm.s32 @!p0 $0x0  }
0x12: {  	s1 =	sld [smem:$0x3F9C];
	s0 =	simm.s32 @p0 $0x1  }
0x13: {  	[smem:$0x3FB7] =	sst s0;
	s0 =	simm.s32 @!p1 $0x0  }
0x14: {  	s2 =	sld [smem:$0x3F9B];
	s0 =	simm.s32 @p1 $0x1  }
0x15: {  	[smem:$0x3FB8] =	sst s0;
	s0 =	simm.s32 @!p2 $0x0  }
0x16: {  	s3 =	sld [smem:$0x3FDB];
	s0 =	simm.s32 @p2 $0x1  }
0x17: {  	s4 =	simm.s32 $0x1BF5;
	[smem:$0x3FBA] =	sst s0  }
0x18: {  	s0 =	sld [smem:$0x3F9D];
	_ =	swait.ge [sflag:s4], $0x0  }
0x19: {  	s7 =	sld [smem:$0x3F9E]  }
0x1a: {  	s8 =	sadd.s32 $0xFFFFE003, lr  }
0x1b: {  	s9 =	sadd.s32 $0xFFFFFEF7, lr;
	s5 =	simm.s32 $0xFFFFFFFF;
	p2 =	slt.u32 s8, $0xFFFFF086  }
0x1c: {  	p1 =	slt.u32 s9, $0xF7A;
	s5 =	simm.s32 @!p2 $0x0  }
0x1d: {  	s5 =	simm.s32 @p1 $0x1;
	p0 =	seq.s32 s7, s2  }
0x1e: {  	s7 =	smul.u32 @!p0 $0xF7A, s2;
	p2 =	seq.s32 @!p0 s5, $0x0  }
0x1f: {  	s9 =	smul.u32 $0xF7A, s1;
	s8 =	simm.s32 @!p0 $0x1BF5;
	p2 =	por !p2, p0  }
0x20: {  	[sflag:s8] =	ssyncset.s32 @!p0 $0xFFFFF086;
	s6 =	sadd.s32 @!p0 s3, s7;
	s7 =	simm.s32 @!p0 $0x108  }
0x21: {  	s3 =	sadd.s32 s3, s9;
	s6 =	sadd.s32 @!p0 $0x88, s6;
	s7 =	simm.s32 @p2 $0x1082  }
0x22: {  	[simem:s7], [sflag:s8] =	dma.local @!p0 [hbm:s6], $0xF7A  }
0x23: {  	s9 =	sor.u32 $0xD0000000, s2;
	s6 =	simm.s32 $0x108;
	_ =	swait.ge @!p0 [sflag:s8], $0x0  }
0x24: {  	s3 =	sadd.s32 $0x88, s3;
	s6 =	simm.s32 @!p1 $0x1082;
	[sflag:s4] =	ssyncset.s32 $0xFFFFF086  }
0x25: {  	[simem:s6], [sflag:s4] =	dma.local [hbm:s3], $0xF7A  }
0x26: {  	[smem:$0x3F9E] =	sst s1;
	(tag) =	ssettag s2;
	_ =	strace s9  }
0x27: {  	s1 =	sld [smem:$0x3FAE]  }
0x28: {  	s2 =	sld [smem:$0x3FAF]  }
0x29: {  	s4 =	sld [smem:$0x3FB1]  }
0x2a: {  	p0 =	seq.s32 s5, $0x0;
	s5 =	sld [smem:$0x3FB2]  }
0x2b: {  	s6 =	sld [smem:$0x3FB3]  }
0x2c: {  	s7 =	sld [smem:$0x3FB4]  }
0x2d: {  	s3 =	simm.s32 $0x108;
	s8 =	sld [smem:$0x3FB5]  }
0x2e: {  	s3 =	simm.s32 @!p0 $0x1082;
	s9 =	sld [smem:$0x3FB6]  }
0x2f: {  	lr =	sadd.s32 s0, s3;
	s0 =	sld [smem:$0x3FAD]  }
0x30: {  	s3 =	sld [smem:$0x3FB0]  }
0x31: {  	[smem:$0x3FB9] =	sst s10  }
0x32: {  	s10 =	sld [smem:$0x3FB7];
	_ =	sdelay $0x3  }
0x33: {  	p0 =	seq.s32 s10, $0x1;
	s10 =	sld [smem:$0x3FB9];
	_ =	sdelay $0x3  }
0x34: {  	[smem:$0x3FB9] =	sst s10  }
0x35: {  	s10 =	sld [smem:$0x3FB8];
	_ =	sdelay $0x3  }
0x36: {  	p1 =	seq.s32 s10, $0x1;
	s10 =	sld [smem:$0x3FB9];
	_ =	sdelay $0x3  }
0x37: {  	[smem:$0x3FB9] =	sst s10  }
0x38: {  	s10 =	sld [smem:$0x3FBA]  }
0x39: {  	_ = 	snop;
	(pc) =	sbr.ind lr, $3  }
0x3a: {  	_ = 	snop  }
0x3b: {  	_ = 	snop  }
0x3c: {  	p2 =	seq.s32 s10, $0x1;
	s10 =	sld [smem:$0x3FB9]  }
0x3d: {  	_ =	shalt  }
0x3e: {  	_ =	shalt  }
0x3f: {  	_ =	shalt  }
0x40: {  	_ =	shalt  }
0x41: {  	_ =	shalt  }
0x42: {  	_ =	shalt  }
0x43: {  	_ =	shalt  }
0x44: {  	_ =	shalt  }
0x45: {  	_ =	shalt  }
0x46: {  	_ =	shalt  }
0x47: {  	_ =	shalt  }
0x48: {  	_ =	shalt  }
0x49: {  	_ =	shalt  }
0x4a: {  	_ =	shalt  }
0x4b: {  	_ =	shalt  }
0x4c: {  	_ =	shalt  }
0x4d: {  	_ =	shalt  }
0x4e: {  	_ =	shalt  }
0x4f: {  	_ =	shalt  }
0x50: {  	_ =	shalt  }
0x51: {  	_ =	shalt  }
0x52: {  	_ =	shalt  }
0x53: {  	_ =	shalt  }
0x54: {  	_ =	shalt  }
0x55: {  	_ =	shalt  }
0x56: {  	_ =	shalt  }
0x57: {  	_ =	shalt  }
0x58: {  	_ =	shalt  }
0x59: {  	_ =	shalt  }
0x5a: {  	_ =	shalt  }
0x5b: {  	_ =	shalt  }
0x5c: {  	_ =	shalt  }
0x5d: {  	_ =	shalt  }
0x5e: {  	_ =	shalt  }
0x5f: {  	_ =	shalt  }
0x60: {  	_ =	shalt  }
0x61: {  	_ =	shalt  }
0x62: {  	_ =	shalt  }
0x63: {  	_ =	shalt  }
0x64: {  	_ =	shalt  }
0x65: {  	_ =	shalt  }
0x66: {  	_ =	shalt  }
0x67: {  	_ =	shalt  }
0x68: {  	_ =	shalt  }
0x69: {  	_ =	shalt  }
0x6a: {  	_ =	shalt  }
0x6b: {  	_ =	shalt  }
0x6c: {  	_ =	shalt  }
0x6d: {  	_ =	shalt  }
0x6e: {  	_ =	shalt  }
0x6f: {  	_ =	shalt  }
0x70: {  	_ =	shalt  }
0x71: {  	_ =	shalt  }
0x72: {  	_ =	shalt  }
0x73: {  	_ =	shalt  }
0x74: {  	_ =	shalt  }
0x75: {  	_ =	shalt  }
0x76: {  	_ =	shalt  }
0x77: {  	_ =	shalt  }
0x78: {  	_ =	shalt  }
0x79: {  	_ =	shalt  }
0x7a: {  	_ =	shalt  }
0x7b: {  	_ =	shalt  }
0x7c: {  	_ =	shalt  }
0x7d: {  	_ =	shalt  }
0x7e: {  	_ =	shalt  }
0x7f: {  	_ =	shalt  }
0x80: {  	_ =	shalt  }
0x81: {  	_ =	shalt  }
0x82: {  	_ =	shalt  }
0x83: {  	_ =	shalt  }
0x84: {  	_ =	shalt  }
0x85: {  	_ =	shalt  }
0x86: {  	_ =	shalt  }
0x87: {  	_ =	shalt  }
.Lfunc_end0:
.L_simem_size_0:
called_computation_lowered:
.L_overlay_start_0:
0x88: {  	s2 =	sld [smem:$0x3FD9]  }
0x89: {  	s3 =	sld [smem:$0x3FFE];
	_ =	sdelay $0x1  }
0x8a: {  	s1 =	srdreg.scid  }
0x8b: {  	s0 =	sand.u32 $0x1, s1  }
0x8c: {  	s17 =	sshll.u32 s0, $0xA;
	s2 =	sadd.s32 s3, s2  }
0x8d: {  	s2 =	sadd.s32 s2, s17  }
0x8e: {  	[smem:$0x3FC5] =	sst s2  }
0x8f: {  	_ = 	snop  }
0x90: {  	s2 =	sld [smem:$0x3FC9]  }
0x91: {  	s18 =	sld [smem:$0x3FD0];
	(tm) =	ssettm $0x1  }
0x92: {  	s4 =	sld [smem:$0x3FFB];
	_ =	sdelay $0x3  }
0x93: {  	_ =	strace s4  }
0x94: {  	s4 =	sld [smem:$0x3FFC];
	_ =	sdelay $0x3  }
0x95: {  	_ =	strace s4  }
0x96: {  	s4 =	sld [smem:$0x3FFD];
	_ =	sdelay $0x3  }
0x97: {  	_ =	strace s4  }
0x98: {  	_ =	strace $0x8FFFFFFF  }
0x99: {  	s19 =	sld [smem:$0x3FDB];
	_ =	sdelay $0x1  }
0x9a: {  	s5 =	simm.s32 $_scs_section_size  }
0x9b: {  	s6 =	simm.s32 $_size__tile_overlayer_lowered;
	s7 =	simm.s32 $_tile_overlayer_lowered  }
0x9c: {  	s22 =	simm.s32 $0x1BFF;
	s21 =	sshll.u32 s7, $0x1;
	s4 =	sadd.s32 s5, s19  }
0x9d: {  	s8 =	simm.s32 $0x0;
	s20 =	sshll.u32 s6, $0x1;
	s6 =	sadd.s32 s21, s4  }
0x9e: {  	[timem:s8], [sflag:s22] =	dma.local [hbm:s6], s20  }
0x9f: {  	_ =	swait.ge [sflag:s22], s20  }
0xa0: {  	s5 =	ssub.s32 $0x0, s20;
	[sflag:s22] =	ssyncset.done $0x0  }
0xa1: {  	[sflag:s22] =	ssyncadd.s32 s5;
	_ =	sdelay $0x1  }
0xa2: {  	s23 =	simm.s32 $0x1B8B  }
0xa3: {  	_ =	swait.ge [sflag:s23], $0x1  }
0xa4: {  	[sflag:s23] =	ssyncset.done $0x0  }
0xa5: {  	s25 =	simm.s32 $0x1B8E;
	s24 =	sld [smem:$0x3FFE];
	[sflag:s23] =	ssyncadd.s32 $0xFFFFFFFF  }
0xa6: {  	s26 =	simm.s32 $execute0_lowered;
	[smem:$0x3FD2] =	sst s25  }
0xa7: {  	s6 =	sshll.u32 s26, $0x1;
	_ =	strace $0x80000046;
	[dreg:$0x1] =	wrdreg $0xFFFFFFFF  }
0xa8: {  	s28 =	simm.s32 $_size_execute0_lowered;
	s4 =	sadd.s32 s4, s6;
	[dreg:$0x0] =	wrdreg $0x0  }
0xa9: {  	s6 =	sshll.u32 s28, $0x1;
	[dreg:$0x2] =	wrdreg s4  }
0xaa: {  	[dreg:$0x3] =	wrdreg s6  }
0xab: {  	[dreg:$0x4] =	wrdreg $0xC0  }
0xac: {  	_ =	task [dreg:s8], $0x5FFFF  }
0xad: {  	[dreg:$0x1] =	wrdreg $0xFFFFFFFF  }
0xae: {  	[dreg:$0x0] =	wrdreg $0x60  }
0xaf: {  	[dreg:$0x2] =	wrdreg s2  }
0xb0: {  	[dreg:$0x3] =	wrdreg s24  }
0xb1: {  	[dreg:$0x4] =	wrdreg s18  }
0xb2: {  	[dreg:$0x5] =	wrdreg $0x9  }
0xb3: {  	_ =	task.clear_ibuf [dreg:s8], $0x6FFFF;
	_ =	strace $0x90000046  }
0xb4: {  	s29 =	simm.s32 $0x9;
	_ =	strace $0x80000048  }
0xb5: {  	_ =	swait.ge [sflag:s29], $0x1  }
0xb6: {  	[sflag:s29] =	ssyncadd.s32 $0xFFFFFFFF  }
0xb7: {  	_ =	strace $0x90000048  }
0xb8: {  	_ =	sfence  }
0xb9: {  	s30 =	sld [smem:$0x0];
	_ =	sdelay $0x2  }
0xba: {  	s31 =	sshll.u32 s1, $0xD;
	s1 =	sshrl.u32 s1, $0x2  }
0xbb: {  	s3 =	sand.u32 $0x4000, s31;
	s1 =	sadd.s32 s1, s30  }
0xbc: {  	s0 =	sor.u32 s3, s0;
	s1 =	sshll.u32 s1, $0x11  }
0xbd: {  	s0 =	sor.u32 s1, s0  }
0xbe: {  	s0 =	sadd.s32 $0x8F2B, s0  }
0xbf: {  	[sflag:s0] =	ssyncadd.remote.s32 $0x1  }
0xc0: {  	_ =	sfence.sel $0xFFFF  }
0xc1: {  	[dreg:$0x0] =	wrdreg $0xFFFFFFFF;
	(pc) =	sbr.abs _section_cstart, $3  }
0xc2: {  	[dreg:$0x1] =	wrdreg $0xFFFFFFFF  }
0xc3: {  	_ =	task.clear_ibuf [dreg:s8], $0x2FFFF;
	_ =	strace $0x9FFFFFFF  }
0xc4: {  	(tm) =	ssettm $0x7FFFFFFF  }
0xc5: {  	_ =	shalt  }
tec
execute0_lowered:
.L_overlay_start_1:
0x0: {  	(tag) =	ssettag $0x1  }
0x1: {  	s4 =	rddreg [dreg:$0x0]  }
0x2: {  	s0 =	rddreg [dreg:$0x1];
	s1 =	simm.s32 $0x0;
	s28 =	srdreg.scid  }
0x3: {  	s3 =	stileid.u32;
	[smem:$0x7FF] =	sst s1  }
0x4: {  	s5 =	sadd.s32 $0xF42A00, s0;
	s1 =	sand.u32 $0x1, s28;
	s3 =	sshll.u32 s3, $0xB  }
0x5: {  	s0 =	sadd.s32 $0x600, s0;
	s30 =	sadd.s32 $0x40, s4;
	_ =	strace $0x80000047  }
0x6: {  	s2 =	ssub.s32 $0x2, s1;
	s1 =	sshll.u32 s1, $0xA;
	[dreg:$0x6] =	wrdreg s0  }
0x7: {  	[dreg:$0x8] =	wrdreg s30;
	s3 =	sor.u32 s1, s3  }
0x8: {  	s1 =	sshrl.u32 s3, $0x3;
	[dreg:$0x7] =	wrdreg s3;
	s31 =	sor.u32 $0x8000, s3  }
0x9: {  	v1 =	vlaneseq.u32;
	s29 =	sshrl.u32 s2, $0x1;
	s4 =	sadd.s32 s4, s1;
	[dreg:$0xb] =	wrdreg s31  }
0xa: {  	v0 =	vmul.u32 $0x201, v1;
	s0 =	ssub.s32 s2, s29;
	s1 =	sadd.s32 s1, s30;
	[dreg:$0x9] =	wrdreg s4  }
0xb: {  	s13 =	simm.s32 $0x10400;
	s0 =	smax.u32 s0, $0x1;
	[dreg:$0xa] =	wrdreg s1  }
0xc: {  	s18 =	simm.s32 $0x7;
	v1 =	vand.u32 $0x7, v1;
	v2 =	vadd.s32 $0x2010, v0;
	s2 =	simm.s32 $0x0;
	[dreg:$0xc] =	wrdreg s0  }
.LBB2_1:
0xd: {  	[dreg:$0xd] =	wrdreg s2;
	s0 =	simm.s32 $0x0  }
0xe: {  	s1 =	rddreg [dreg:$0x6];
	s19 =	simm.s32 $0x14420;
	s20 =	simm.s32 $0x8  }
0xf: {  	[tilespmem:s19], [sflag:$0x8] =	stream.linear.gather [hbm4b:s1+s0], $0x1900, $0x38;
	[tilespmem:$0x15D20] =	vst v63  }
0x10: {  	_ =	swait.ge [sflag:s20], $0x1900  }
0x11: {  	[sflag:s20] =	ssyncset.done $0x0  }
0x12: {  	s22 =	simm.s32 $0x1;
	s21 =	rddreg [dreg:$0x9];
	[sflag:s20] =	ssyncadd.s32 $0xFFFFE700  }
0x13: {  	[tilespmem:s0], [sflag:$0x1] =	stream.linear.gather [hbm4b:s21+s0], $0x200, $0x38;
	[tilespmem:$0x15D20] =	vst v63  }
0x14: {  	_ =	swait.ge [sflag:s22], $0x200  }
0x15: {  	[sflag:s22] =	ssyncset.done $0x0  }
0x16: {  	s23 =	simm.s32 $0x80;
	s24 =	simm.s32 $0x400;
	[sflag:s22] =	ssyncadd.s32 $0xFFFFFE00  }
0x17: {  	[tilespmem:s24], [sflag:$0x3] =	stream.indirect.gather [hbm4b:s5+s23], $0x20, s0, s23, $0xb8;
	[tilespmem:$0x15D20] =	vst v63  }
0x18: {  	s25 =	simm.s32 $0x1400  }
0x19: {  	[tilespmem:s25], [sflag:$0x3] =	stream.indirect.gather [hbm4b:s5+s23], $0x20, s23, s23, $0xb8;
	[tilespmem:$0x15D20] =	vst v63  }
0x1a: {  	s26 =	simm.s32 $0x100;
	s3 =	simm.s32 $0x2400  }
0x1b: {  	[tilespmem:s3], [sflag:$0x3] =	stream.indirect.gather [hbm4b:s5+s23], $0x20, s26, s23, $0xb8;
	[tilespmem:$0x15D20] =	vst v63  }
0x1c: {  	s28 =	simm.s32 $0x180;
	s29 =	simm.s32 $0x3400  }
0x1d: {  	[tilespmem:s29], [sflag:$0x3] =	stream.indirect.gather [hbm4b:s5+s23], $0x20, s28, s23, $0xb8;
	[tilespmem:$0x15D20] =	vst v63  }
0x1e: {  	s31 =	simm.s32 $0x200;
	s12 =	simm.s32 $0x0;
	s30 =	rddreg [dreg:$0xa]  }
0x1f: {  	[tilespmem:s31], [sflag:$0x2] =	stream.linear.gather [hbm4b:s30+s0], $0x200, $0x38;
	[tilespmem:$0x15D20] =	vst v63  }
.LBB2_2:
0x20: {  	s0 =	simm.s32 $0x2  }
0x21: {  	_ =	swait.ge [sflag:s0], $0x200  }
0x22: {  	s23 =	simm.s32 $0x80;
	[sflag:s0] =	ssyncset.done $0x0  }
0x23: {  	s1 =	simm.s32 $0x200;
	s2 =	simm.s32 $0x4400;
	[sflag:s0] =	ssyncadd.s32 $0xFFFFFE00  }
0x24: {  	[tilespmem:s2], [sflag:$0x4] =	stream.indirect.gather [hbm4b:s5+s23], $0x20, s1, s23, $0xb8;
	[tilespmem:$0x15D20] =	vst v63  }
0x25: {  	s24 =	simm.s32 $0x280;
	s25 =	simm.s32 $0x5400  }
0x26: {  	[tilespmem:s25], [sflag:$0x4] =	stream.indirect.gather [hbm4b:s5+s23], $0x20, s24, s23, $0xb8;
	[tilespmem:$0x15D20] =	vst v63  }
0x27: {  	s26 =	simm.s32 $0x300;
	s28 =	simm.s32 $0x6400  }
0x28: {  	[tilespmem:s28], [sflag:$0x4] =	stream.indirect.gather [hbm4b:s5+s23], $0x20, s26, s23, $0xb8;
	[tilespmem:$0x15D20] =	vst v63  }
0x29: {  	s29 =	simm.s32 $0x380;
	s30 =	simm.s32 $0x7400;
	s31 =	simm.s32 $0x3  }
0x2a: {  	[tilespmem:s30], [sflag:$0x4] =	stream.indirect.gather [hbm4b:s5+s23], $0x20, s29, s23, $0xb8;
	[tilespmem:$0x15D20] =	vst v63  }
0x2b: {  	_ =	swait.ge [sflag:s31], $0x1000  }
0x2c: {  	[sflag:s31] =	ssyncset.done $0x0  }
0x2d: {  	[sflag:s31] =	ssyncadd.s32 $0xFFFFF000  }
0x2e: {  	_ =	swait.ge [sflag:s31], $0x1000  }
0x2f: {  	[sflag:s31] =	ssyncset.done $0x0  }
0x30: {  	[sflag:s31] =	ssyncadd.s32 $0xFFFFF000  }
0x31: {  	_ =	swait.ge [sflag:s31], $0x1000  }
0x32: {  	p0 =	seq.s32 s12, $0x18;
	[sflag:s31] =	ssyncset.done $0x0  }
0x33: {  	p1 =	seq.s32 @!p0 s12, $0x0;
	[sflag:s31] =	ssyncadd.s32 $0xFFFFF000  }
0x34: {  	p1 =	por p0, !p1;
	s0 =	sshll.u32 @!p0 s12, $0xF;
	_ =	swait.ge [sflag:s31], $0x1000  }
.Ltmp0:
0x35: {  	s1 =	rddreg [dreg:$0xb];
	[sflag:s31] =	ssyncset.done $0x0;
	(pc) =	sbr.rel @!p1 .LBB2_3-.Ltmp0, $4  }
0x36: {  	s0 =	sadd.s32 @!p0 s1, s0;
	[sflag:s31] =	ssyncadd.s32 $0xFFFFF000  }
0x37: {  	s1 =	sshrl.u32 @!p0 s0, $0x3;
	s0 =	rddreg [dreg:$0x0]  }
0x38: {  	[dreg:$0xf] =	wrdreg s1;
	s0 =	sadd.s32 @!p0 s0, s1;
	s1 =	simm.s32 @!p0 $0x0  }
0x39: {  	[tilespmem:s1], [sflag:$0x1] =	stream.linear.gather @!p0 [hbm4b:s0+s1], $0x200, $0x38;
	[tilespmem:$0x15D20] =	vst v63  }
.Ltmp1:
0x3a: {  	(pc) =	sbr.rel .LBB2_5-.Ltmp1, $4  }
0x3b: {  	s0 =	simm.s32 $0x5  }
0x3c: {  	_ =	swait.ge [sflag:s0], $0x4000  }
0x3d: {  	[sflag:s0] =	ssyncset.done $0x0  }
0x3e: {  	p1 =	por $0x0, $0x0;
	[sflag:s0] =	ssyncadd.s32 $0xFFFFC000  }
.LBB2_3:
0x3f: {  	p1 =	por @!p0 $0x1, $0x1  }
.LBB2_5:
0x40: {  	s0 =	sshll.u32 s12, $0x8  }
0x41: {  	s1 =	sshllo.u32 s12, $0x1;
	s0 =	sand.u32 $0x3FFFFF00, s0  }
0x42: {  	s9 =	simm.s32 $0x0;
	s3 =	simm.s32 $0x480;
	s0 =	sadd.s32 $0x14420, s0  }
0x43: {  	s10 =	simm.s32 $0x10A03;
	[dreg:$0xe] =	wrdreg s1;
	s1 =	simm.s32 $0x0;
	v3 =	vmov s0  }
.LBB2_6:
0x44: {  	_ =	sdelay $0x1  }
0x45: {  	s0 =	sshll.u32 s1, $0x5;
	s2 =	sadd.s32 $0xFFFFFFF8, s9  }
0x46: {  	v6 =	vld [tilespmem:s3+$0xFFFFFF80];
	s0 =	sand.u32 $0x3FFFFFE0, s0;
	s6 =	sadd.s32 $0x8, s2  }
0x47: {  	v5 =	vld.idx.msk [tilespmem:v3+s0+$0x0 ss:$0x1], $0xffff;
	v4 =	vadd.s32 s6, v0  }
0x48: {  	v4 =	vand.u32 $0x3FF8, v4  }
0x49: {  	v7 =	vor.u32 v1, v4;
	_ =	sdelay $0x2  }
0x4a: {  	v6 =	vadd.f32 v6, v5;
	_ =	sdelay $0x1  }
0x4b: {  	v4 =	vld.idx.msk [tilespmem:v3+s0+$0x10 ss:$0x1], $0xffff;
	[tilespmem:v7+s13+$0x0] =	vst.idx.msk $0xffff, v6  }
0x4c: {  	v6 =	vadd.s32 s6, v2;
	v7 =	vld [tilespmem:s3+$0xFFFFFF90]  }
0x4d: {  	v8 =	vld [tilespmem:s3+$0x60];
	v6 =	vand.u32 $0x7FF8, v6  }
0x4e: {  	v9 =	vld [tilespmem:s3+$0x40];
	s31 =	sadd.s32 $0xF, s2;
	v6 =	vor.u32 v1, v6  }
0x4f: {  	v10 =	vld [tilespmem:s3+$0x20];
	s8 =	sadd.s32 $0xE, s2;
	v11 =	vadd.s32 s31, v0  }
0x50: {  	v12 =	vld [tilespmem:s3+$0x0];
	s11 =	sadd.s32 $0xD, s2;
	v13 =	vadd.s32 s8, v0  }
0x51: {  	v14 =	vld [tilespmem:s3+$0xFFFFFFE0];
	s14 =	sadd.s32 $0xC, s2;
	v15 =	vadd.s32 s11, v0;
	v7 =	vadd.f32 v7, v4  }
0x52: {  	v17 =	vld [tilespmem:s3+$0xFFFFFFC0];
	s16 =	sadd.s32 $0xB, s2;
	v16 =	vadd.s32 s14, v0;
	v8 =	vadd.f32 v8, v5  }
0x53: {  	s7 =	sadd.s32 $0x0, s9;
	s17 =	sadd.s32 $0xA, s2;
	v9 =	vadd.f32 v9, v5;
	[tilespmem:v6+s13+$0x0] =	vst.idx.msk $0xffff, v7;
	v7 =	vadd.s32 s16, v0  }
0x54: {  	s19 =	sadd.s32 $0x8, s7;
	v18 =	vadd.s32 s17, v0;
	s0 =	sadd.s32 $0x100, s3;
	v10 =	vadd.f32 v10, v5;
	[tilespmem:v11+s13+$0x0] =	vst.idx.msk $0xffff, v8;
	v6 =	vld [tilespmem:s3+$0xFFFFFFA0]  }
0x55: {  	s20 =	sadd.s32 $0x9, s2;
	v19 =	vadd.s32 s19, v0;
	v20 =	vld [tilespmem:s0+$0xFFFFFF80];
	v12 =	vadd.f32 v12, v5;
	[tilespmem:v13+s13+$0x0] =	vst.idx.msk $0xffff, v9  }
0x56: {  	v8 =	vadd.s32 s20, v0;
	v11 =	vand.u32 $0x3FF8, v19;
	v13 =	vadd.f32 v14, v5;
	[tilespmem:v15+s13+$0x0] =	vst.idx.msk $0xffff, v10;
	v9 =	vld [tilespmem:s3+$0x70]  }
0x57: {  	v14 =	vadd.f32 v17, v5;
	[tilespmem:v16+s13+$0x0] =	vst.idx.msk $0xffff, v12;
	v11 =	vor.u32 v1, v11;
	v10 =	vld [tilespmem:s3+$0x50]  }
0x58: {  	v15 =	vadd.s32 s31, v2;
	[tilespmem:v7+s13+$0x0] =	vst.idx.msk $0xffff, v13;
	v7 =	vld [tilespmem:s3+$0x10]  }
0x59: {  	v12 =	vld [tilespmem:s3+$0x30];
	[tilespmem:v18+s13+$0x0] =	vst.idx.msk $0xffff, v14;
	v6 =	vadd.f32 v6, v5;
	v13 =	vadd.s32 s8, v2  }
0x5a: {  	v19 =	vadd.s32 s14, v2;
	v16 =	vadd.f32 v20, v5;
	v18 =	vld [tilespmem:s3+$0xFFFFFFD0]  }
0x5b: {  	v17 =	vadd.s32 s11, v2;
	v14 =	vld [tilespmem:s3+$0xFFFFFFF0];
	[tilespmem:v8+s13+$0x0] =	vst.idx.msk $0xffff, v6;
	v6 =	vadd.f32 v9, v4  }
0x5c: {  	v23 =	vadd.s32 s17, v2;
	[tilespmem:v11+s13+$0x0] =	vst.idx.msk $0xffff, v16;
	v8 =	vadd.f32 v10, v4;
	v20 =	vld [tilespmem:s3+$0xFFFFFFB0]  }
0x5d: {  	v21 =	vadd.s32 s16, v2;
	v22 =	vld [tilespmem:s0+$0xFFFFFF90];
	[tilespmem:v15+s13+$0x0] =	vst.idx.msk $0xffff, v6;
	v6 =	vadd.s32 s19, v2;
	v7 =	vadd.f32 v7, v4  }
0x5e: {  	v16 =	vadd.s32 s20, v2;
	v9 =	vadd.f32 v12, v4;
	v10 =	vld [tilespmem:s0+$0x60];
	[tilespmem:v13+s13+$0x0] =	vst.idx.msk $0xffff, v8;
	v11 =	vand.u32 $0x7FF8, v6  }
0x5f: {  	s11 =	sadd.s32 $0xF, s7;
	v24 =	vadd.f32 v18, v4;
	v8 =	vld [tilespmem:s0+$0x40];
	[tilespmem:v19+s13+$0x0] =	vst.idx.msk $0xffff, v7;
	v7 =	vor.u32 v1, v11  }
0x60: {  	s22 =	simm.s32 $0x8;
	s23 =	sadd.s32 $0xE, s7;
	[tilespmem:v17+s13+$0x0] =	vst.idx.msk $0xffff, v9;
	v9 =	vld [tilespmem:s0+$0x20];
	v13 =	vadd.s32 s11, v0;
	v14 =	vadd.f32 v14, v4  }
0x61: {  	s2 =	sadd.s32 $0xC, s7;
	s25 =	smov.u32 s0;
	[tilespmem:v23+s13+$0x0] =	vst.idx.msk $0xffff, v24;
	v12 =	vadd.s32 s23, v0;
	s19 =	sadd.s32 $0xD, s7;
	v11 =	vld [tilespmem:s0+$0x0];
	v18 =	vadd.f32 v20, v4  }
0x62: {  	s6 =	sadd.s32 $0xA, s7;
	s20 =	sadd.s32 $0xB, s7;
	s8 =	sadd.s32 $0x9, s7;
	v17 =	vadd.f32 v22, v4;
	v6 =	vadd.s32 s2, v0;
	v15 =	vadd.s32 s19, v0;
	[tilespmem:v21+s13+$0x0] =	vst.idx.msk $0xffff, v14;
	v14 =	vld [tilespmem:s0+$0xFFFFFFE0]  }
.LBB2_7:
0x63: {  	s26 =	sadd.s32 s22, s9;
	s22 =	sadd.s32 $0x8, s22;
	v19 =	vadd.s32 s8, v0;
	v20 =	vld [tilespmem:s0+$0xFFFFFFC0];
	v10 =	vadd.f32 v10, v5;
	s25 =	sadd.s32 $0x100, s25;
	[tilespmem:v16+s13+$0x0] =	vst.idx.msk $0xffff, v18  }
0x64: {  	v16 =	vadd.s32 s6, v0;
	s7 =	sadd.s32 $0x8, s26;
	s14 =	sadd.s32 $0xC, s26;
	s16 =	sadd.s32 $0xF, s26;
	[tilespmem:v7+s13+$0x0] =	vst.idx.msk $0xffff, v17;
	v7 =	vld [tilespmem:s0+$0xFFFFFFA0];
	v17 =	vadd.s32 s20, v0;
	v8 =	vadd.f32 v8, v5  }
0x65: {  	s17 =	sadd.s32 $0xB, s26;
	s24 =	sadd.s32 $0xD, s26;
	v18 =	vadd.s32 s7, v0;
	v21 =	vld [tilespmem:s25+$0xFFFFFF80];
	v22 =	vadd.s32 s7, v2;
	s7 =	sadd.s32 $0xA, s26;
	v9 =	vadd.f32 v9, v5;
	[tilespmem:v13+s13+$0x0] =	vst.idx.msk $0xffff, v10  }
0x66: {  	s28 =	sadd.s32 $0x9, s26;
	p2 =	slt.u32 s22, $0x78;
	v10 =	vand.u32 $0x3FF8, v18;
	v13 =	vand.u32 $0x7FF8, v22;
	v11 =	vadd.f32 v11, v5;
	[tilespmem:v12+s13+$0x0] =	vst.idx.msk $0xffff, v8;
	v8 =	vld [tilespmem:s0+$0x70]  }
0x67: {  	v12 =	vadd.s32 s14, v0;
	v10 =	vor.u32 v1, v10;
	v14 =	vadd.f32 v14, v5;
	[tilespmem:v15+s13+$0x0] =	vst.idx.msk $0xffff, v9;
	v9 =	vld [tilespmem:s0+$0x50]  }
0x68: {  	v18 =	vadd.s32 s11, v2;
	s11 =	smov.u32 s16;
	v15 =	vadd.f32 v20, v5;
	[tilespmem:v6+s13+$0x0] =	vst.idx.msk $0xffff, v11;
	v11 =	vld [tilespmem:s0+$0x30];
	v6 =	vmov v12  }
0x69: {  	v7 =	vadd.f32 v7, v5;
	[tilespmem:v17+s13+$0x0] =	vst.idx.msk $0xffff, v14;
	v12 =	vld [tilespmem:s0+$0x10];
	v14 =	vadd.s32 s23, v2  }
0x6a: {  	v20 =	vadd.s32 s19, v2;
	s19 =	smov.u32 s24;
	v17 =	vadd.f32 v21, v5;
	[tilespmem:v16+s13+$0x0] =	vst.idx.msk $0xffff, v15;
	v15 =	vld [tilespmem:s0+$0xFFFFFFF0]  }
0x6b: {  	v21 =	vadd.s32 s2, v2;
	s2 =	smov.u32 s14;
	[tilespmem:v19+s13+$0x0] =	vst.idx.msk $0xffff, v7;
	v19 =	vld [tilespmem:s0+$0xFFFFFFD0];
	v7 =	vadd.f32 v8, v4  }
0x6c: {  	v22 =	vadd.s32 s20, v2;
	s20 =	smov.u32 s17;
	[tilespmem:v10+s13+$0x0] =	vst.idx.msk $0xffff, v17;
	v17 =	vld [tilespmem:s0+$0xFFFFFFB0];
	v8 =	vadd.f32 v9, v4;
	s0 =	smov.u32 s25  }
0x6d: {  	v24 =	vadd.s32 s6, v2;
	s6 =	smov.u32 s7;
	v23 =	vld [tilespmem:s25+$0xFFFFFF90];
	v9 =	vadd.f32 v11, v4;
	[tilespmem:v18+s13+$0x0] =	vst.idx.msk $0xffff, v7  }
.Ltmp2:
0x6e: {  	v16 =	vadd.s32 s8, v2;
	s8 =	smov.u32 s28;
	v10 =	vld [tilespmem:s25+$0x60];
	v11 =	vadd.f32 v12, v4;
	[tilespmem:v14+s13+$0x0] =	vst.idx.msk $0xffff, v8;
	(pc) =	sbr.rel @p2 .LBB2_7-.Ltmp2, $4  }
0x6f: {  	v7 =	vor.u32 v1, v13;
	v8 =	vld [tilespmem:s25+$0x40];
	v14 =	vadd.f32 v15, v4;
	[tilespmem:v20+s13+$0x0] =	vst.idx.msk $0xffff, v9  }
0x70: {  	s23 =	sadd.s32 $0xE, s26;
	v13 =	vadd.s32 s11, v0;
	v9 =	vld [tilespmem:s25+$0x20];
	v19 =	vadd.f32 v19, v4;
	[tilespmem:v21+s13+$0x0] =	vst.idx.msk $0xffff, v11  }
0x71: {  	v12 =	vadd.s32 s23, v0;
	v11 =	vld [tilespmem:s25+$0x0];
	v18 =	vadd.f32 v17, v4;
	[tilespmem:v22+s13+$0x0] =	vst.idx.msk $0xffff, v14  }
0x72: {  	v15 =	vadd.s32 s19, v0;
	v17 =	vadd.f32 v23, v4;
	v14 =	vld [tilespmem:s25+$0xFFFFFFE0];
	[tilespmem:v24+s13+$0x0] =	vst.idx.msk $0xffff, v19  }
0x73: {  	_ =	sdelay $0x2  }
0x74: {  	v19 =	vld [tilespmem:s0+$0xFFFFFFC0];
	v10 =	vadd.f32 v10, v5  }
0x75: {  	[tilespmem:v16+s13+$0x0] =	vst.idx.msk $0xffff, v18;
	v54 =	vld [tilespmem:s0+$0xFFFFFFA0];
	v55 =	vadd.s32 s20, v0;
	v8 =	vadd.f32 v8, v5  }
0x76: {  	v20 =	vadd.s32 s6, v0;
	v9 =	vadd.f32 v9, v5;
	[tilespmem:v13+s13+$0x0] =	vst.idx.msk $0xffff, v10  }
0x77: {  	v10 =	vadd.s32 s8, v0;
	v11 =	vadd.f32 v11, v5;
	[tilespmem:v12+s13+$0x0] =	vst.idx.msk $0xffff, v8;
	v8 =	vld [tilespmem:s0+$0x70]  }
0x78: {  	v56 =	vadd.f32 v14, v5;
	[tilespmem:v15+s13+$0x0] =	vst.idx.msk $0xffff, v9;
	v9 =	vld [tilespmem:s0+$0x50]  }
0x79: {  	v57 =	vadd.f32 v19, v5;
	[tilespmem:v6+s13+$0x0] =	vst.idx.msk $0xffff, v11;
	v6 =	vld [tilespmem:s0+$0x30];
	v11 =	vadd.s32 s11, v2  }
0x7a: {  	v59 =	vadd.s32 s23, v2;
	v5 =	vadd.f32 v54, v5;
	[tilespmem:v55+s13+$0x0] =	vst.idx.msk $0xffff, v56;
	v58 =	vld [tilespmem:s0+$0x10]  }
0x7b: {  	v61 =	vadd.s32 s19, v2;
	[tilespmem:v20+s13+$0x0] =	vst.idx.msk $0xffff, v57;
	v60 =	vld [tilespmem:s0+$0xFFFFFFF0]  }
0x7c: {  	[tilespmem:v10+s13+$0x0] =	vst.idx.msk $0xffff, v5;
	v10 =	vadd.s32 s2, v2;
	v5 =	vld [tilespmem:s0+$0xFFFFFFD0];
	v8 =	vadd.f32 v8, v4  }
0x7d: {  	v62 =	vadd.s32 s20, v2;
	[tilespmem:v7+s13+$0x0] =	vst.idx.msk $0xffff, v17;
	v7 =	vld [tilespmem:s0+$0xFFFFFFB0];
	v9 =	vadd.f32 v9, v4  }
0x7e: {  	v63 =	vadd.s32 s6, v2;
	v6 =	vadd.f32 v6, v4;
	[tilespmem:v11+s13+$0x0] =	vst.idx.msk $0xffff, v8  }
0x7f: {  	v8 =	vadd.s32 s8, v2;
	v11 =	vadd.f32 v58, v4;
	[tilespmem:v59+s13+$0x0] =	vst.idx.msk $0xffff, v9  }
0x80: {  	v9 =	vadd.f32 v60, v4;
	[tilespmem:v61+s13+$0x0] =	vst.idx.msk $0xffff, v6  }
0x81: {  	v5 =	vadd.f32 v5, v4;
	[tilespmem:v10+s13+$0x0] =	vst.idx.msk $0xffff, v11  }
0x82: {  	v4 =	vadd.f32 v7, v4;
	[tilespmem:v62+s13+$0x0] =	vst.idx.msk $0xffff, v9  }
0x83: {  	s14 =	sshll.u32 s1, $0xC;
	s7 =	sadd.s32 $0x603, s9;
	[tilespmem:v63+s13+$0x0] =	vst.idx.msk $0xffff, v5  }
0x84: {  	s15 =	simm.s32 $0x602;
	s16 =	sadd.s32 $0xFFFFFDFF, s7;
	[tilespmem:v8+s13+$0x0] =	vst.idx.msk $0xffff, v4;
	[sflag:s18] =	ssyncadd.s32 $0x1  }
0x85: {  	s6 =	sand.u32 $0x7FF8, s16;
	s0 =	sand.u32 $0x3FFFF000, s14;
	_ =	swait.ge [sflag:s18], $0x1  }
0x86: {  	s2 =	sand.u32 $0x6, s15;
	s0 =	sadd.s32 $0x8400, s0;
	[sflag:s18] =	ssyncset.done $0x0  }
0x87: {  	[dreg:$0x4] =	wrdreg s0;
	s0 =	sor.u32 s2, s6;
	[sflag:s18] =	ssyncadd.s32 $0xFFFFFFFF  }
0x88: {  	v4 =	vld [tilespmem:s0+$0x10400]  }
0x89: {  	s19 =	simm.s32 $0x0  }
0x8a: {  	s21 =	simm.s32 $0x100;
	s20 =	sand.u32 $0xC00, s19;
	s17 =	rddreg [dreg:$0x4]  }
0x8b: {  	s22 =	sand.u32 $0x300, s21;
	s14 =	sadd.s32 s20, s17  }
0x8c: {  	s2 =	sadd.s32 s22, s14  }
0x8d: {  	[tilespmem:s2+$0x0] =	vst v4  }
0x8e: {  	v4 =	vld [tilespmem:s0+$0x10410]  }
0x8f: {  	s24 =	simm.s32 $0x0;
	s16 =	simm.s32 $0x201  }
0x90: {  	s23 =	sadd.s32 $0xFFFFF9FD, s7;
	s16 =	sand.u32 $0x5, s16;
	s17 =	sadd.s32 $0xFFFFFBFE, s7  }
0x91: {  	s11 =	sand.u32 $0x4, s24;
	s6 =	sand.u32 $0x7FF8, s23;
	s25 =	sand.u32 $0x7FF8, s17  }
0x92: {  	s11 =	sor.u32 s11, s6;
	v5 =	vld [tilespmem:s10+$0x0];
	s6 =	sor.u32 s16, s25  }
0x93: {  	v7 =	vld [tilespmem:s6+$0x10400];
	[tilespmem:s2+$0x10] =	vst v4  }
0x94: {  	s26 =	simm.s32 $0x180;
	s4 =	simm.s32 $0x603;
	s15 =	simm.s32 $0x80;
	v4 =	vld [tilespmem:s0+$0x10420]  }
0x95: {  	s7 =	sand.u32 $0x7FF8, s7;
	v6 =	vld [tilespmem:s11+$0x10400];
	s17 =	sand.u32 $0x380, s26;
	s16 =	sand.u32 $0x7, s4  }
0x96: {  	s25 =	sadd.s32 s17, s14;
	s23 =	sor.u32 s16, s7;
	s16 =	sand.u32 $0x280, s15  }
0x97: {  	s28 =	sadd.s32 s16, s14;
	[tilespmem:s25+$0x0] =	vst v5  }
0x98: {  	s8 =	sand.u32 $0x200, s19;
	v5 =	vld [tilespmem:s23+$0x10410];
	[tilespmem:s28+$0x0] =	vst v7  }
0x99: {  	s19 =	sadd.s32 s8, s14;
	v7 =	vld [tilespmem:s6+$0x10410];
	[tilespmem:s2+$0x20] =	vst v4  }
0x9a: {  	[tilespmem:s19+$0x0] =	vst v6;
	v4 =	vld [tilespmem:s0+$0x10430]  }
0x9b: {  	v6 =	vld [tilespmem:s11+$0x10410];
	_ =	sdelay $0x1  }
0x9c: {  	[tilespmem:s25+$0x10] =	vst v5  }
0x9d: {  	v5 =	vld [tilespmem:s23+$0x10420];
	[tilespmem:s28+$0x10] =	vst v7  }
0x9e: {  	v7 =	vld [tilespmem:s6+$0x10420];
	[tilespmem:s2+$0x30] =	vst v4  }
0x9f: {  	[tilespmem:s19+$0x10] =	vst v6;
	v4 =	vld [tilespmem:s0+$0x10440]  }
0xa0: {  	v6 =	vld [tilespmem:s11+$0x10420];
	_ =	sdelay $0x1  }
0xa1: {  	[tilespmem:s25+$0x20] =	vst v5  }
0xa2: {  	v5 =	vld [tilespmem:s23+$0x10430];
	[tilespmem:s28+$0x20] =	vst v7  }
0xa3: {  	v7 =	vld [tilespmem:s6+$0x10430];
	[tilespmem:s2+$0x40] =	vst v4  }
0xa4: {  	[tilespmem:s19+$0x20] =	vst v6;
	v4 =	vld [tilespmem:s0+$0x10450]  }
0xa5: {  	s7 =	sadd.s32 $0xE07, s9;
	v6 =	vld [tilespmem:s11+$0x10430]  }
0xa6: {  	s17 =	simm.s32 $0xE06;
	s20 =	sadd.s32 $0xFFFFFDFF, s7  }
0xa7: {  	s8 =	sand.u32 $0x6, s17;
	s14 =	sand.u32 $0x7FF8, s20;
	[tilespmem:s25+$0x30] =	vst v5  }
0xa8: {  	s26 =	sor.u32 s8, s14;
	v5 =	vld [tilespmem:s23+$0x10440];
	[tilespmem:s28+$0x30] =	vst v7  }
0xa9: {  	s16 =	simm.s32 $0x200;
	v7 =	vld [tilespmem:s26+$0x10400];
	[tilespmem:s2+$0x50] =	vst v4  }
0xaa: {  	s21 =	rddreg [dreg:$0x4];
	s24 =	sand.u32 $0xC00, s16;
	[tilespmem:s19+$0x30] =	vst v6;
	v4 =	vld [tilespmem:s0+$0x10460]  }
0xab: {  	s17 =	sadd.s32 $0x804, s10;
	s24 =	sadd.s32 s24, s21;
	s21 =	simm.s32 $0x300;
	v6 =	vld [tilespmem:s11+$0x10440]  }
0xac: {  	s22 =	simm.s32 $0x804;
	v9 =	vld [tilespmem:s17+$0x0];
	s29 =	sand.u32 $0x300, s21  }
0xad: {  	s4 =	simm.s32 $0xA05;
	s22 =	sand.u32 $0x4, s22;
	s29 =	sadd.s32 s29, s24;
	v8 =	vld [tilespmem:s6+$0x10440];
	[tilespmem:s25+$0x40] =	vst v5  }
0xae: {  	s15 =	sadd.s32 $0xFFFFF9FD, s7;
	s31 =	sadd.s32 $0xFFFFFBFE, s7;
	s8 =	simm.s32 $0x380;
	v5 =	vld [tilespmem:s23+$0x10450];
	[tilespmem:s29+$0x0] =	vst v7  }
0xaf: {  	s20 =	sand.u32 $0x7FF8, s15;
	s14 =	sand.u32 $0x5, s4;
	s4 =	sand.u32 $0x380, s8;
	v7 =	vld [tilespmem:s26+$0x10410];
	[tilespmem:s2+$0x60] =	vst v4  }
0xb0: {  	s30 =	sor.u32 s22, s20;
	s22 =	sand.u32 $0x7FF8, s31;
	s31 =	sadd.s32 s4, s24;
	[tilespmem:s19+$0x40] =	vst v6;
	v4 =	vld [tilespmem:s0+$0x10470]  }
0xb1: {  	[tilespmem:s31+$0x0] =	vst v9;
	v9 =	vld [tilespmem:s11+$0x10450]  }
0xb2: {  	s15 =	simm.s32 $0xE07;
	v6 =	vld [tilespmem:s30+$0x10400];
	[tilespmem:s28+$0x40] =	vst v8;
	s0 =	sor.u32 s14, s22  }
0xb3: {  	s7 =	sand.u32 $0x7FF8, s7;
	[tilespmem:s25+$0x50] =	vst v5;
	s14 =	sand.u32 $0x7, s15;
	v8 =	vld [tilespmem:s0+$0x10400]  }
0xb4: {  	v5 =	vld [tilespmem:s6+$0x10450];
	[tilespmem:s29+$0x10] =	vst v7;
	s20 =	sor.u32 s14, s7  }
0xb5: {  	s16 =	sand.u32 $0x200, s16;
	s21 =	simm.s32 $0x280;
	[tilespmem:s2+$0x70] =	vst v4;
	v4 =	vld [tilespmem:s20+$0x10410]  }
0xb6: {  	[tilespmem:s19+$0x50] =	vst v9;
	v7 =	vld [tilespmem:s26+$0x10420];
	s22 =	sadd.s32 s16, s24;
	s2 =	sand.u32 $0x280, s21  }
0xb7: {  	[tilespmem:s22+$0x0] =	vst v6;
	s2 =	sadd.s32 s2, s24  }
0xb8: {  	v6 =	vld [tilespmem:s30+$0x10410];
	[tilespmem:s2+$0x0] =	vst v8  }
0xb9: {  	[tilespmem:s28+$0x50] =	vst v5;
	v8 =	vld [tilespmem:s0+$0x10410]  }
0xba: {  	[tilespmem:s31+$0x10] =	vst v4;
	v4 =	vld [tilespmem:s11+$0x10460]  }
0xbb: {  	[tilespmem:s29+$0x20] =	vst v7;
	v5 =	vld [tilespmem:s20+$0x10420]  }
0xbc: {  	v7 =	vld [tilespmem:s26+$0x10430]  }
0xbd: {  	[tilespmem:s22+$0x10] =	vst v6;
	v6 =	vld [tilespmem:s6+$0x10460]  }
0xbe: {  	v9 =	vld [tilespmem:s30+$0x10420];
	[tilespmem:s2+$0x10] =	vst v8  }
0xbf: {  	v10 =	vld [tilespmem:s0+$0x10420];
	[tilespmem:s19+$0x60] =	vst v4  }
0xc0: {  	v4 =	vld [tilespmem:s23+$0x10460];
	[tilespmem:s31+$0x20] =	vst v5  }
0xc1: {  	[tilespmem:s29+$0x30] =	vst v7;
	v5 =	vld [tilespmem:s20+$0x10430]  }
0xc2: {  	[tilespmem:s28+$0x60] =	vst v6;
	v11 =	vld [tilespmem:s11+$0x10470]  }
0xc3: {  	v6 =	vld [tilespmem:s26+$0x10440];
	[tilespmem:s22+$0x20] =	vst v9  }
0xc4: {  	v8 =	vld [tilespmem:s30+$0x10430];
	[tilespmem:s2+$0x20] =	vst v10  }
0xc5: {  	v7 =	vld [tilespmem:s0+$0x10430];
	[tilespmem:s25+$0x60] =	vst v4  }
0xc6: {  	v4 =	vld [tilespmem:s6+$0x10470];
	[tilespmem:s31+$0x30] =	vst v5  }
0xc7: {  	s11 =	simm.s32 $0x4;
	s6 =	simm.s32 $0x160B;
	[tilespmem:s19+$0x70] =	vst v11;
	s19 =	sadd.s32 $0x804, s17;
	v5 =	vld [tilespmem:s20+$0x10440]  }
.LBB2_9:
0xc8: {  	_ =	sdelay $0x1  }
0xc9: {  	s16 =	sadd.s32 s6, s9;
	[tilespmem:s22+$0x30] =	vst v8;
	v8 =	vld [tilespmem:s23+$0x10470]  }
0xca: {  	s7 =	sadd.s32 $0xFFFFFBFE, s6;
	s14 =	sadd.s32 $0xFFFFFFFF, s6;
	s24 =	sadd.s32 $0xFFFFF9FD, s6;
	[tilespmem:s29+$0x40] =	vst v6;
	v9 =	vld [tilespmem:s30+$0x10440]  }
0xcb: {  	s8 =	sadd.s32 $0x200, s8;
	s17 =	sadd.s32 $0xFFFFFDFF, s16;
	s21 =	sadd.s32 $0xFFFFF9FD, s16;
	[tilespmem:s2+$0x30] =	vst v7;
	v6 =	vld [tilespmem:s26+$0x10450]  }
0xcc: {  	s14 =	sand.u32 $0x6, s14;
	s4 =	sadd.s32 $0xFFFFFBFE, s16;
	s17 =	sand.u32 $0x7FF8, s17;
	[tilespmem:s31+$0x40] =	vst v5;
	v7 =	vld [tilespmem:s0+$0x10440]  }
0xcd: {  	s24 =	sand.u32 $0x4, s24;
	s15 =	sand.u32 $0x5, s7;
	s14 =	sor.u32 s14, s17;
	[tilespmem:s28+$0x70] =	vst v4;
	v5 =	vld [tilespmem:s20+$0x10450]  }
0xce: {  	s4 =	sand.u32 $0x7FF8, s4;
	s17 =	sand.u32 $0x7FF8, s21;
	s21 =	sadd.s32 $0xFFFFFF80, s8;
	v4 =	vld [tilespmem:s14+$0x10400];
	[tilespmem:s25+$0x70] =	vst v8  }
0xcf: {  	s23 =	rddreg [dreg:$0x4];
	s7 =	sor.u32 s24, s17;
	s28 =	sadd.s32 $0xFFFFFE80, s8;
	v8 =	vld [tilespmem:s19+$0x0];
	[tilespmem:s22+$0x40] =	vst v9  }
0xd0: {  	s21 =	sand.u32 $0x300, s21;
	s17 =	sor.u32 s15, s4;
	s25 =	sand.u32 $0xC00, s28;
	[tilespmem:s29+$0x50] =	vst v6;
	v9 =	vld [tilespmem:s30+$0x10450]  }
0xd1: {  	s15 =	sand.u32 $0x200, s28;
	s23 =	sadd.s32 s25, s23;
	s25 =	sadd.s32 $0xFFFFFF00, s8;
	[tilespmem:s2+$0x40] =	vst v7;
	v6 =	vld [tilespmem:s26+$0x10460]  }
0xd2: {  	[tilespmem:s31+$0x50] =	vst v5;
	s4 =	sadd.s32 s21, s23;
	v7 =	vld [tilespmem:s7+$0x10400];
	s21 =	sand.u32 $0x280, s25;
	s25 =	sand.u32 $0x380, s8  }
0xd3: {  	s24 =	sadd.s32 s15, s23;
	v5 =	vld [tilespmem:s17+$0x10400];
	[tilespmem:s4+$0x0] =	vst v4;
	s15 =	sadd.s32 s21, s23;
	s21 =	sadd.s32 s25, s23  }
0xd4: {  	s16 =	sand.u32 $0x7FF8, s16;
	s25 =	sand.u32 $0x7, s6;
	v4 =	vld [tilespmem:s14+$0x10410];
	[tilespmem:s21+$0x0] =	vst v8  }
0xd5: {  	s16 =	sor.u32 s25, s16;
	v8 =	vld [tilespmem:s0+$0x10450];
	[tilespmem:s22+$0x50] =	vst v9  }
0xd6: {  	v9 =	vld [tilespmem:s16+$0x10410];
	[tilespmem:s29+$0x60] =	vst v6  }
0xd7: {  	s28 =	smov.u32 s2;
	s2 =	smov.u32 s15;
	[tilespmem:s24+$0x0] =	vst v7;
	v6 =	vld [tilespmem:s26+$0x10470]  }
0xd8: {  	[tilespmem:s2+$0x0] =	vst v5;
	v7 =	vld [tilespmem:s7+$0x10410]  }
0xd9: {  	s26 =	smov.u32 s14;
	v5 =	vld [tilespmem:s17+$0x10410];
	[tilespmem:s4+$0x10] =	vst v4  }
0xda: {  	s25 =	smov.u32 s31;
	s31 =	smov.u32 s21;
	v4 =	vld [tilespmem:s26+$0x10420];
	[tilespmem:s28+$0x50] =	vst v8  }
0xdb: {  	s23 =	smov.u32 s20;
	s20 =	smov.u32 s16;
	v8 =	vld [tilespmem:s30+$0x10460];
	[tilespmem:s31+$0x10] =	vst v9  }
0xdc: {  	v9 =	vld [tilespmem:s20+$0x10420];
	[tilespmem:s29+$0x70] =	vst v6  }
0xdd: {  	[tilespmem:s24+$0x10] =	vst v7;
	v6 =	vld [tilespmem:s0+$0x10460]  }
0xde: {  	s29 =	smov.u32 s4;
	[tilespmem:s2+$0x10] =	vst v5;
	v7 =	vld [tilespmem:s7+$0x10420]  }
0xdf: {  	v5 =	vld [tilespmem:s17+$0x10420];
	[tilespmem:s29+$0x20] =	vst v4  }
0xe0: {  	[tilespmem:s22+$0x60] =	vst v8  }
0xe1: {  	v4 =	vld [tilespmem:s26+$0x10430];
	[tilespmem:s31+$0x20] =	vst v9  }
0xe2: {  	[tilespmem:s28+$0x60] =	vst v6;
	v9 =	vld [tilespmem:s23+$0x10460]  }
0xe3: {  	s11 =	sadd.s32 $0x4, s11;
	v10 =	vld [tilespmem:s20+$0x10430];
	[tilespmem:s24+$0x20] =	vst v7  }
0xe4: {  	p2 =	slt.u32 s11, $0x1C;
	[tilespmem:s2+$0x20] =	vst v5;
	v11 =	vld [tilespmem:s30+$0x10470]  }
.Ltmp3:
0xe5: {  	s30 =	smov.u32 s7;
	v7 =	vld [tilespmem:s17+$0x10430];
	(pc) =	sbr.rel @p2 .LBB2_9-.Ltmp3, $4  }
0xe6: {  	v8 =	vld [tilespmem:s30+$0x10430];
	[tilespmem:s29+$0x30] =	vst v4  }
0xe7: {  	v4 =	vld [tilespmem:s0+$0x10470];
	[tilespmem:s25+$0x60] =	vst v9  }
0xe8: {  	s19 =	sadd.s32 $0x804, s19;
	v6 =	vld [tilespmem:s26+$0x10440];
	[tilespmem:s31+$0x30] =	vst v10  }
0xe9: {  	s6 =	sadd.s32 $0x804, s6;
	s0 =	smov.u32 s17;
	[tilespmem:s22+$0x70] =	vst v11;
	s22 =	smov.u32 s24;
	v5 =	vld [tilespmem:s20+$0x10440]  }
0xea: {  	[tilespmem:s2+$0x30] =	vst v7  }
0xeb: {  	[tilespmem:s22+$0x30] =	vst v8;
	v7 =	vld [tilespmem:s0+$0x10440]  }
0xec: {  	v8 =	vld [tilespmem:s30+$0x10440];
	_ =	sdelay $0x1  }
0xed: {  	[tilespmem:s29+$0x40] =	vst v6  }
0xee: {  	v6 =	vld [tilespmem:s26+$0x10450];
	[tilespmem:s31+$0x40] =	vst v5  }
0xef: {  	v61 =	vld [tilespmem:s20+$0x10450];
	[tilespmem:s2+$0x40] =	vst v7  }
0xf0: {  	[tilespmem:s22+$0x40] =	vst v8;
	v5 =	vld [tilespmem:s0+$0x10450]  }
0xf1: {  	v8 =	vld [tilespmem:s30+$0x10450];
	_ =	sdelay $0x1  }
0xf2: {  	[tilespmem:s29+$0x50] =	vst v6  }
0xf3: {  	v6 =	vld [tilespmem:s26+$0x10460];
	[tilespmem:s31+$0x50] =	vst v61  }
0xf4: {  	v63 =	vld [tilespmem:s20+$0x10460];
	[tilespmem:s2+$0x50] =	vst v5  }
0xf5: {  	[tilespmem:s22+$0x50] =	vst v8;
	v62 =	vld [tilespmem:s0+$0x10460]  }
0xf6: {  	v5 =	vld [tilespmem:s30+$0x10460]  }
0xf7: {  	[tilespmem:s28+$0x70] =	vst v4  }
0xf8: {  	v9 =	vld [tilespmem:s23+$0x10470];
	[tilespmem:s29+$0x60] =	vst v6  }
0xf9: {  	v6 =	vld [tilespmem:s26+$0x10470];
	[tilespmem:s31+$0x60] =	vst v63  }
0xfa: {  	v4 =	vld [tilespmem:s20+$0x10470];
	[tilespmem:s2+$0x60] =	vst v62  }
0xfb: {  	s1 =	sadd.s32 $0x1, s1;
	[tilespmem:s22+$0x60] =	vst v5;
	v7 =	vld [tilespmem:s0+$0x10470]  }
0xfc: {  	p2 =	sne.s32 s1, $0x4;
	v5 =	vld [tilespmem:s30+$0x10470]  }
.Ltmp4:
0xfd: {  	[tilespmem:s25+$0x70] =	vst v9;
	(pc) =	sbr.rel @p2 .LBB2_6-.Ltmp4, $4  }
0xfe: {  	[tilespmem:s29+$0x70] =	vst v6  }
0xff: {  	[tilespmem:s31+$0x70] =	vst v4  }
0x100: {  	[tilespmem:s2+$0x70] =	vst v7  }
0x101: {  	s9 =	sadd.s32 $0x80, s9;
	s3 =	sadd.s32 $0x1000, s3;
	s10 =	sadd.s32 $0x80, s10;
	[tilespmem:s22+$0x70] =	vst v5  }
0x102: {  	[sflag:s18] =	ssyncadd.s32 $0x1  }
0x103: {  	_ =	swait.ge [sflag:s18], $0x1  }
0x104: {  	s0 =	sshll.u32 s12, $0x14;
	s1 =	rddreg [dreg:$0x7];
	[sflag:s18] =	ssyncset.done $0x0  }
0x105: {  	s0 =	sor.u32 s1, s0;
	[sflag:s18] =	ssyncadd.s32 $0xFFFFFFFF  }
0x106: {  	s26 =	simm.s32 $0x400;
	s0 =	sshrl.u32 s0, $0x3;
	s31 =	rddreg [dreg:$0x2]  }
0x107: {  	s2 =	simm.s32 $0x8000;
	s3 =	simm.s32 $0x8400;
	s0 =	sadd.s32 s31, s0  }
0x108: {  	[hbm4b:s0+s26] =	stream.strided.scatter [tilespmem:s3], [sflag:$0x5], $0x4000, s2, s26, $0x38;
	[tilespmem:$0x15D20] =	vst v63  }
0x109: {  	s0 =	simm.s32 @!p0 $0x1  }
0x10a: {  	_ =	swait.ge @!p0 [sflag:s0], $0x200  }
0x10b: {  	s1 =	simm.s32 @!p0 $0x0;
	[sflag:s0] =	ssyncset.done @!p0 $0x0  }
0x10c: {  	s2 =	simm.s32 @!p0 $0x400;
	[sflag:s0] =	ssyncadd.s32 @!p0 $0xFFFFFE00;
	s0 =	simm.s32 @!p0 $0x80  }
0x10d: {  	[tilespmem:s2], [sflag:$0x3] =	stream.indirect.gather @!p0 [hbm4b:s5+s0], $0x20, s1, s0, $0xb8;
	[tilespmem:$0x15D20] =	vst v63  }
0x10e: {  	s2 =	simm.s32 @!p0 $0x1400  }
0x10f: {  	[tilespmem:s2], [sflag:$0x3] =	stream.indirect.gather @!p0 [hbm4b:s5+s0], $0x20, s0, s0, $0xb8;
	[tilespmem:$0x15D20] =	vst v63  }
0x110: {  	s3 =	simm.s32 @!p0 $0x2400;
	s2 =	simm.s32 @!p0 $0x100  }
0x111: {  	[tilespmem:s3], [sflag:$0x3] =	stream.indirect.gather @!p0 [hbm4b:s5+s0], $0x20, s2, s0, $0xb8;
	[tilespmem:$0x15D20] =	vst v63  }
0x112: {  	s28 =	simm.s32 $0x4;
	s2 =	simm.s32 @!p0 $0x180;
	s3 =	simm.s32 @!p0 $0x3400  }
0x113: {  	[tilespmem:s3], [sflag:$0x3] =	stream.indirect.gather @!p0 [hbm4b:s5+s0], $0x20, s2, s0, $0xb8;
	[tilespmem:$0x15D20] =	vst v63  }
0x114: {  	_ =	swait.ge [sflag:s28], $0x1000  }
0x115: {  	[sflag:s28] =	ssyncset.done $0x0  }
0x116: {  	[sflag:s28] =	ssyncadd.s32 $0xFFFFF000  }
0x117: {  	_ =	swait.ge [sflag:s28], $0x1000  }
0x118: {  	[sflag:s28] =	ssyncset.done $0x0  }
0x119: {  	[sflag:s28] =	ssyncadd.s32 $0xFFFFF000  }
0x11a: {  	_ =	swait.ge [sflag:s28], $0x1000  }
0x11b: {  	[sflag:s28] =	ssyncset.done $0x0  }
0x11c: {  	[sflag:s28] =	ssyncadd.s32 $0xFFFFF000  }
0x11d: {  	_ =	swait.ge [sflag:s28], $0x1000  }
0x11e: {  	s0 =	rddreg [dreg:$0x8]  }
0x11f: {  	[sflag:s28] =	ssyncset.done $0x0;
	s2 =	rddreg [dreg:$0xf]  }
0x120: {  	[sflag:s28] =	ssyncadd.s32 $0xFFFFF000;
	s0 =	sadd.s32 @!p0 s2, s0;
	s2 =	simm.s32 @!p0 $0x200  }
0x121: {  	[tilespmem:s2], [sflag:$0x2] =	stream.linear.gather @!p0 [hbm4b:s0+s1], $0x200, $0x38;
	[tilespmem:$0x15D20] =	vst v63  }
0x122: {  	s0 =	simm.s32 @!p1 $0x6  }
0x123: {  	_ =	swait.ge @!p1 [sflag:s0], $0x4000  }
0x124: {  	s29 =	rddreg [dreg:$0xe]  }
0x125: {  	s1 =	sshll.u32 s29, $0x7  }
0x126: {  	s9 =	simm.s32 $0x0;
	s1 =	sand.u32 $0x3FFFFF80, s1  }
0x127: {  	s10 =	simm.s32 $0x10A03;
	[sflag:s0] =	ssyncset.done @!p1 $0x0;
	s30 =	sadd.s32 $0x14420, s1  }
0x128: {  	s3 =	simm.s32 $0x4480;
	[sflag:s0] =	ssyncadd.s32 @!p1 $0xFFFFC000;
	s1 =	simm.s32 $0x0;
	v3 =	vmov s30  }
.LBB2_12:
0x129: {  	_ =	sdelay $0x1  }
0x12a: {  	s0 =	sshll.u32 s1, $0x5;
	s2 =	sadd.s32 $0xFFFFFFF8, s9  }
0x12b: {  	v6 =	vld [tilespmem:s3+$0xFFFFFF80];
	s0 =	sand.u32 $0x3FFFFFE0, s0;
	s4 =	sadd.s32 $0x8, s2  }
0x12c: {  	v5 =	vld.idx.msk [tilespmem:v3+s0+$0x0 ss:$0x1], $0xffff;
	v4 =	vadd.s32 s4, v0  }
0x12d: {  	v4 =	vand.u32 $0x3FF8, v4  }
0x12e: {  	v7 =	vor.u32 v1, v4;
	_ =	sdelay $0x2  }
0x12f: {  	v6 =	vadd.f32 v6, v5;
	_ =	sdelay $0x1  }
0x130: {  	v4 =	vld.idx.msk [tilespmem:v3+s0+$0x10 ss:$0x1], $0xffff;
	[tilespmem:v7+s13+$0x0] =	vst.idx.msk $0xffff, v6  }
0x131: {  	v6 =	vadd.s32 s4, v2;
	v7 =	vld [tilespmem:s3+$0xFFFFFF90]  }
0x132: {  	v8 =	vld [tilespmem:s3+$0x60];
	v6 =	vand.u32 $0x7FF8, v6  }
0x133: {  	v9 =	vld [tilespmem:s3+$0x40];
	s30 =	sadd.s32 $0xF, s2;
	v6 =	vor.u32 v1, v6  }
0x134: {  	v10 =	vld [tilespmem:s3+$0x20];
	s6 =	sadd.s32 $0xE, s2;
	v11 =	vadd.s32 s30, v0  }
0x135: {  	v12 =	vld [tilespmem:s3+$0x0];
	s8 =	sadd.s32 $0xD, s2;
	v13 =	vadd.s32 s6, v0  }
0x136: {  	v14 =	vld [tilespmem:s3+$0xFFFFFFE0];
	s11 =	sadd.s32 $0xC, s2;
	v15 =	vadd.s32 s8, v0;
	v7 =	vadd.f32 v7, v4  }
0x137: {  	v17 =	vld [tilespmem:s3+$0xFFFFFFC0];
	s14 =	sadd.s32 $0xB, s2;
	v16 =	vadd.s32 s11, v0;
	v8 =	vadd.f32 v8, v5  }
0x138: {  	s7 =	sadd.s32 $0x0, s9;
	s15 =	sadd.s32 $0xA, s2;
	v9 =	vadd.f32 v9, v5;
	[tilespmem:v6+s13+$0x0] =	vst.idx.msk $0xffff, v7;
	v7 =	vadd.s32 s14, v0  }
0x139: {  	s16 =	sadd.s32 $0x8, s7;
	v18 =	vadd.s32 s15, v0;
	s0 =	sadd.s32 $0x100, s3;
	v10 =	vadd.f32 v10, v5;
	[tilespmem:v11+s13+$0x0] =	vst.idx.msk $0xffff, v8;
	v6 =	vld [tilespmem:s3+$0xFFFFFFA0]  }
0x13a: {  	s17 =	sadd.s32 $0x9, s2;
	v19 =	vadd.s32 s16, v0;
	v20 =	vld [tilespmem:s0+$0xFFFFFF80];
	v12 =	vadd.f32 v12, v5;
	[tilespmem:v13+s13+$0x0] =	vst.idx.msk $0xffff, v9  }
0x13b: {  	v8 =	vadd.s32 s17, v0;
	v11 =	vand.u32 $0x3FF8, v19;
	v13 =	vadd.f32 v14, v5;
	[tilespmem:v15+s13+$0x0] =	vst.idx.msk $0xffff, v10;
	v9 =	vld [tilespmem:s3+$0x70]  }
0x13c: {  	v14 =	vadd.f32 v17, v5;
	[tilespmem:v16+s13+$0x0] =	vst.idx.msk $0xffff, v12;
	v11 =	vor.u32 v1, v11;
	v10 =	vld [tilespmem:s3+$0x50]  }
0x13d: {  	v15 =	vadd.s32 s30, v2;
	[tilespmem:v7+s13+$0x0] =	vst.idx.msk $0xffff, v13;
	v7 =	vld [tilespmem:s3+$0x10]  }
0x13e: {  	v12 =	vld [tilespmem:s3+$0x30];
	[tilespmem:v18+s13+$0x0] =	vst.idx.msk $0xffff, v14;
	v6 =	vadd.f32 v6, v5;
	v13 =	vadd.s32 s6, v2  }
0x13f: {  	v19 =	vadd.s32 s11, v2;
	v16 =	vadd.f32 v20, v5;
	v18 =	vld [tilespmem:s3+$0xFFFFFFD0]  }
0x140: {  	v17 =	vadd.s32 s8, v2;
	v14 =	vld [tilespmem:s3+$0xFFFFFFF0];
	[tilespmem:v8+s13+$0x0] =	vst.idx.msk $0xffff, v6;
	v6 =	vadd.f32 v9, v4  }
0x141: {  	v23 =	vadd.s32 s15, v2;
	[tilespmem:v11+s13+$0x0] =	vst.idx.msk $0xffff, v16;
	v8 =	vadd.f32 v10, v4;
	v20 =	vld [tilespmem:s3+$0xFFFFFFB0]  }
0x142: {  	v21 =	vadd.s32 s14, v2;
	v22 =	vld [tilespmem:s0+$0xFFFFFF90];
	[tilespmem:v15+s13+$0x0] =	vst.idx.msk $0xffff, v6;
	v6 =	vadd.s32 s16, v2;
	v7 =	vadd.f32 v7, v4  }
0x143: {  	v16 =	vadd.s32 s17, v2;
	v9 =	vadd.f32 v12, v4;
	v10 =	vld [tilespmem:s0+$0x60];
	[tilespmem:v13+s13+$0x0] =	vst.idx.msk $0xffff, v8;
	v11 =	vand.u32 $0x7FF8, v6  }
0x144: {  	s11 =	sadd.s32 $0xF, s7;
	v24 =	vadd.f32 v18, v4;
	v8 =	vld [tilespmem:s0+$0x40];
	[tilespmem:v19+s13+$0x0] =	vst.idx.msk $0xffff, v7;
	v7 =	vor.u32 v1, v11  }
0x145: {  	s20 =	simm.s32 $0x8;
	s22 =	sadd.s32 $0xE, s7;
	[tilespmem:v17+s13+$0x0] =	vst.idx.msk $0xffff, v9;
	v9 =	vld [tilespmem:s0+$0x20];
	v13 =	vadd.s32 s11, v0;
	v14 =	vadd.f32 v14, v4  }
0x146: {  	s2 =	sadd.s32 $0xC, s7;
	s19 =	sadd.s32 $0xB, s7;
	s15 =	sadd.s32 $0xD, s7;
	[tilespmem:v23+s13+$0x0] =	vst.idx.msk $0xffff, v24;
	v12 =	vadd.s32 s22, v0;
	v11 =	vld [tilespmem:s0+$0x0];
	v18 =	vadd.f32 v20, v4  }
0x147: {  	s23 =	smov.u32 s0;
	s8 =	sadd.s32 $0x9, s7;
	s6 =	sadd.s32 $0xA, s7;
	v17 =	vadd.f32 v22, v4;
	v15 =	vadd.s32 s15, v0;
	v6 =	vadd.s32 s2, v0;
	[tilespmem:v21+s13+$0x0] =	vst.idx.msk $0xffff, v14;
	v14 =	vld [tilespmem:s0+$0xFFFFFFE0]  }
.LBB2_13:
0x148: {  	s25 =	sadd.s32 s20, s9;
	s20 =	sadd.s32 $0x8, s20;
	v19 =	vadd.s32 s8, v0;
	v20 =	vld [tilespmem:s0+$0xFFFFFFC0];
	v10 =	vadd.f32 v10, v5;
	s23 =	sadd.s32 $0x100, s23;
	[tilespmem:v16+s13+$0x0] =	vst.idx.msk $0xffff, v18  }
0x149: {  	v16 =	vadd.s32 s6, v0;
	s4 =	sadd.s32 $0x8, s25;
	s7 =	sadd.s32 $0xC, s25;
	s14 =	sadd.s32 $0xF, s25;
	[tilespmem:v7+s13+$0x0] =	vst.idx.msk $0xffff, v17;
	v7 =	vld [tilespmem:s0+$0xFFFFFFA0];
	v17 =	vadd.s32 s19, v0;
	v8 =	vadd.f32 v8, v5  }
0x14a: {  	s16 =	sadd.s32 $0xB, s25;
	s17 =	sadd.s32 $0xD, s25;
	v18 =	vadd.s32 s4, v0;
	v21 =	vld [tilespmem:s23+$0xFFFFFF80];
	v22 =	vadd.s32 s4, v2;
	s4 =	sadd.s32 $0xA, s25;
	v9 =	vadd.f32 v9, v5;
	[tilespmem:v13+s13+$0x0] =	vst.idx.msk $0xffff, v10  }
0x14b: {  	s21 =	sadd.s32 $0x9, s25;
	p0 =	slt.u32 s20, $0x78;
	v10 =	vand.u32 $0x3FF8, v18;
	v13 =	vand.u32 $0x7FF8, v22;
	v11 =	vadd.f32 v11, v5;
	[tilespmem:v12+s13+$0x0] =	vst.idx.msk $0xffff, v8;
	v8 =	vld [tilespmem:s0+$0x70]  }
0x14c: {  	v12 =	vadd.s32 s7, v0;
	v10 =	vor.u32 v1, v10;
	v14 =	vadd.f32 v14, v5;
	[tilespmem:v15+s13+$0x0] =	vst.idx.msk $0xffff, v9;
	v9 =	vld [tilespmem:s0+$0x50]  }
0x14d: {  	v18 =	vadd.s32 s11, v2;
	s11 =	smov.u32 s14;
	v15 =	vadd.f32 v20, v5;
	[tilespmem:v6+s13+$0x0] =	vst.idx.msk $0xffff, v11;
	v11 =	vld [tilespmem:s0+$0x30];
	v6 =	vmov v12  }
0x14e: {  	v7 =	vadd.f32 v7, v5;
	[tilespmem:v17+s13+$0x0] =	vst.idx.msk $0xffff, v14;
	v12 =	vld [tilespmem:s0+$0x10];
	v14 =	vadd.s32 s22, v2  }
0x14f: {  	v20 =	vadd.s32 s15, v2;
	s15 =	smov.u32 s17;
	v17 =	vadd.f32 v21, v5;
	[tilespmem:v16+s13+$0x0] =	vst.idx.msk $0xffff, v15;
	v15 =	vld [tilespmem:s0+$0xFFFFFFF0]  }
0x150: {  	v21 =	vadd.s32 s2, v2;
	s2 =	smov.u32 s7;
	[tilespmem:v19+s13+$0x0] =	vst.idx.msk $0xffff, v7;
	v19 =	vld [tilespmem:s0+$0xFFFFFFD0];
	v7 =	vadd.f32 v8, v4  }
0x151: {  	v22 =	vadd.s32 s19, v2;
	s19 =	smov.u32 s16;
	[tilespmem:v10+s13+$0x0] =	vst.idx.msk $0xffff, v17;
	v17 =	vld [tilespmem:s0+$0xFFFFFFB0];
	v8 =	vadd.f32 v9, v4;
	s0 =	smov.u32 s23  }
0x152: {  	v24 =	vadd.s32 s6, v2;
	s6 =	smov.u32 s4;
	v23 =	vld [tilespmem:s23+$0xFFFFFF90];
	v9 =	vadd.f32 v11, v4;
	[tilespmem:v18+s13+$0x0] =	vst.idx.msk $0xffff, v7  }
.Ltmp5:
0x153: {  	v16 =	vadd.s32 s8, v2;
	s8 =	smov.u32 s21;
	v10 =	vld [tilespmem:s23+$0x60];
	v11 =	vadd.f32 v12, v4;
	[tilespmem:v14+s13+$0x0] =	vst.idx.msk $0xffff, v8;
	(pc) =	sbr.rel @p0 .LBB2_13-.Ltmp5, $4  }
0x154: {  	v7 =	vor.u32 v1, v13;
	v8 =	vld [tilespmem:s23+$0x40];
	v14 =	vadd.f32 v15, v4;
	[tilespmem:v20+s13+$0x0] =	vst.idx.msk $0xffff, v9  }
0x155: {  	s22 =	sadd.s32 $0xE, s25;
	v13 =	vadd.s32 s11, v0;
	v9 =	vld [tilespmem:s23+$0x20];
	v19 =	vadd.f32 v19, v4;
	[tilespmem:v21+s13+$0x0] =	vst.idx.msk $0xffff, v11  }
0x156: {  	v12 =	vadd.s32 s22, v0;
	v11 =	vld [tilespmem:s23+$0x0];
	v18 =	vadd.f32 v17, v4;
	[tilespmem:v22+s13+$0x0] =	vst.idx.msk $0xffff, v14  }
0x157: {  	v15 =	vadd.s32 s15, v0;
	v17 =	vadd.f32 v23, v4;
	v14 =	vld [tilespmem:s23+$0xFFFFFFE0];
	[tilespmem:v24+s13+$0x0] =	vst.idx.msk $0xffff, v19  }
0x158: {  	_ =	sdelay $0x2  }
0x159: {  	v19 =	vld [tilespmem:s0+$0xFFFFFFC0];
	v10 =	vadd.f32 v10, v5  }
0x15a: {  	[tilespmem:v16+s13+$0x0] =	vst.idx.msk $0xffff, v18;
	v54 =	vld [tilespmem:s0+$0xFFFFFFA0];
	v55 =	vadd.s32 s19, v0;
	v8 =	vadd.f32 v8, v5  }
0x15b: {  	v20 =	vadd.s32 s6, v0;
	v9 =	vadd.f32 v9, v5;
	[tilespmem:v13+s13+$0x0] =	vst.idx.msk $0xffff, v10  }
0x15c: {  	v10 =	vadd.s32 s8, v0;
	v11 =	vadd.f32 v11, v5;
	[tilespmem:v12+s13+$0x0] =	vst.idx.msk $0xffff, v8;
	v8 =	vld [tilespmem:s0+$0x70]  }
0x15d: {  	v56 =	vadd.f32 v14, v5;
	[tilespmem:v15+s13+$0x0] =	vst.idx.msk $0xffff, v9;
	v9 =	vld [tilespmem:s0+$0x50]  }
0x15e: {  	v57 =	vadd.f32 v19, v5;
	[tilespmem:v6+s13+$0x0] =	vst.idx.msk $0xffff, v11;
	v6 =	vld [tilespmem:s0+$0x30];
	v11 =	vadd.s32 s11, v2  }
0x15f: {  	v59 =	vadd.s32 s22, v2;
	v5 =	vadd.f32 v54, v5;
	[tilespmem:v55+s13+$0x0] =	vst.idx.msk $0xffff, v56;
	v58 =	vld [tilespmem:s0+$0x10]  }
0x160: {  	v61 =	vadd.s32 s15, v2;
	[tilespmem:v20+s13+$0x0] =	vst.idx.msk $0xffff, v57;
	v60 =	vld [tilespmem:s0+$0xFFFFFFF0]  }
0x161: {  	[tilespmem:v10+s13+$0x0] =	vst.idx.msk $0xffff, v5;
	v10 =	vadd.s32 s2, v2;
	v5 =	vld [tilespmem:s0+$0xFFFFFFD0];
	v8 =	vadd.f32 v8, v4  }
0x162: {  	v62 =	vadd.s32 s19, v2;
	[tilespmem:v7+s13+$0x0] =	vst.idx.msk $0xffff, v17;
	v7 =	vld [tilespmem:s0+$0xFFFFFFB0];
	v9 =	vadd.f32 v9, v4  }
0x163: {  	v63 =	vadd.s32 s6, v2;
	v6 =	vadd.f32 v6, v4;
	[tilespmem:v11+s13+$0x0] =	vst.idx.msk $0xffff, v8  }
0x164: {  	v8 =	vadd.s32 s8, v2;
	v11 =	vadd.f32 v58, v4;
	[tilespmem:v59+s13+$0x0] =	vst.idx.msk $0xffff, v9  }
0x165: {  	v9 =	vadd.f32 v60, v4;
	[tilespmem:v61+s13+$0x0] =	vst.idx.msk $0xffff, v6  }
0x166: {  	v5 =	vadd.f32 v5, v4;
	[tilespmem:v10+s13+$0x0] =	vst.idx.msk $0xffff, v11  }
0x167: {  	v4 =	vadd.f32 v7, v4;
	[tilespmem:v62+s13+$0x0] =	vst.idx.msk $0xffff, v9  }
0x168: {  	s16 =	sshll.u32 s1, $0xC;
	s4 =	sadd.s32 $0x603, s9;
	[tilespmem:v63+s13+$0x0] =	vst.idx.msk $0xffff, v5  }
0x169: {  	s17 =	simm.s32 $0x602;
	s19 =	sadd.s32 $0xFFFFFDFF, s4;
	[tilespmem:v8+s13+$0x0] =	vst.idx.msk $0xffff, v4;
	[sflag:s18] =	ssyncadd.s32 $0x1  }
0x16a: {  	s6 =	sand.u32 $0x7FF8, s19;
	s0 =	sand.u32 $0x3FFFF000, s16;
	_ =	swait.ge [sflag:s18], $0x1  }
0x16b: {  	s2 =	sand.u32 $0x6, s17;
	s0 =	sadd.s32 $0xC400, s0;
	[sflag:s18] =	ssyncset.done $0x0  }
0x16c: {  	[dreg:$0x5] =	wrdreg s0;
	s0 =	sor.u32 s2, s6;
	[sflag:s18] =	ssyncadd.s32 $0xFFFFFFFF  }
0x16d: {  	v4 =	vld [tilespmem:s0+$0x10400]  }
0x16e: {  	s7 =	simm.s32 $0x0  }
0x16f: {  	s22 =	simm.s32 $0x100;
	s21 =	sand.u32 $0xC00, s7;
	s20 =	rddreg [dreg:$0x5]  }
0x170: {  	s23 =	sand.u32 $0x300, s22;
	s14 =	sadd.s32 s21, s20  }
0x171: {  	s2 =	sadd.s32 s23, s14  }
0x172: {  	[tilespmem:s2+$0x0] =	vst v4  }
0x173: {  	v4 =	vld [tilespmem:s0+$0x10410]  }
0x174: {  	s25 =	simm.s32 $0x0;
	s26 =	simm.s32 $0x201  }
0x175: {  	s24 =	sadd.s32 $0xFFFFF9FD, s4;
	s17 =	sand.u32 $0x5, s26;
	s16 =	sadd.s32 $0xFFFFFBFE, s4  }
0x176: {  	s16 =	sand.u32 $0x7FF8, s16;
	s8 =	sand.u32 $0x4, s25;
	s6 =	sand.u32 $0x7FF8, s24  }
0x177: {  	s11 =	sor.u32 s8, s6;
	s6 =	sor.u32 s17, s16;
	v5 =	vld [tilespmem:s10+$0x0]  }
0x178: {  	s19 =	simm.s32 $0x180;
	v7 =	vld [tilespmem:s6+$0x10400];
	[tilespmem:s2+$0x10] =	vst v4  }
0x179: {  	s15 =	sand.u32 $0x380, s19;
	v4 =	vld [tilespmem:s0+$0x10420]  }
0x17a: {  	s4 =	sand.u32 $0x7FF8, s4;
	s20 =	simm.s32 $0x603;
	s21 =	simm.s32 $0x80;
	v6 =	vld [tilespmem:s11+$0x10400]  }
0x17b: {  	s15 =	sadd.s32 s15, s14;
	s8 =	sand.u32 $0x7, s20;
	s22 =	sand.u32 $0x280, s21  }
0x17c: {  	s23 =	sor.u32 s8, s4;
	s26 =	sadd.s32 s22, s14;
	[tilespmem:s15+$0x0] =	vst v5  }
0x17d: {  	s7 =	sand.u32 $0x200, s7;
	[tilespmem:s26+$0x0] =	vst v7;
	v5 =	vld [tilespmem:s23+$0x10410]  }
0x17e: {  	s19 =	sadd.s32 s7, s14;
	v7 =	vld [tilespmem:s6+$0x10410];
	[tilespmem:s2+$0x20] =	vst v4  }
0x17f: {  	[tilespmem:s19+$0x0] =	vst v6;
	v4 =	vld [tilespmem:s0+$0x10430]  }
0x180: {  	v6 =	vld [tilespmem:s11+$0x10410];
	_ =	sdelay $0x1  }
0x181: {  	[tilespmem:s15+$0x10] =	vst v5  }
0x182: {  	[tilespmem:s26+$0x10] =	vst v7;
	v5 =	vld [tilespmem:s23+$0x10420]  }
0x183: {  	v7 =	vld [tilespmem:s6+$0x10420];
	[tilespmem:s2+$0x30] =	vst v4  }
0x184: {  	[tilespmem:s19+$0x10] =	vst v6;
	v4 =	vld [tilespmem:s0+$0x10440]  }
0x185: {  	v6 =	vld [tilespmem:s11+$0x10420];
	_ =	sdelay $0x1  }
0x186: {  	[tilespmem:s15+$0x20] =	vst v5  }
0x187: {  	[tilespmem:s26+$0x20] =	vst v7;
	v5 =	vld [tilespmem:s23+$0x10430]  }
0x188: {  	v7 =	vld [tilespmem:s6+$0x10430];
	[tilespmem:s2+$0x40] =	vst v4  }
0x189: {  	s4 =	sadd.s32 $0xE07, s9;
	[tilespmem:s19+$0x20] =	vst v6;
	v4 =	vld [tilespmem:s0+$0x10450]  }
0x18a: {  	s24 =	simm.s32 $0xE06;
	s25 =	sadd.s32 $0xFFFFFDFF, s4;
	v6 =	vld [tilespmem:s11+$0x10430]  }
0x18b: {  	s7 =	sand.u32 $0x6, s24;
	s8 =	sand.u32 $0x7FF8, s25  }
0x18c: {  	s25 =	sor.u32 s7, s8;
	[tilespmem:s15+$0x30] =	vst v5  }
0x18d: {  	s16 =	simm.s32 $0x200;
	[tilespmem:s26+$0x30] =	vst v7;
	v7 =	vld [tilespmem:s25+$0x10400]  }
0x18e: {  	s21 =	sand.u32 $0xC00, s16;
	s8 =	rddreg [dreg:$0x5];
	v5 =	vld [tilespmem:s23+$0x10440];
	[tilespmem:s2+$0x50] =	vst v4  }
0x18f: {  	s7 =	sadd.s32 s21, s8;
	s21 =	simm.s32 $0x300;
	[tilespmem:s19+$0x30] =	vst v6;
	v4 =	vld [tilespmem:s0+$0x10460]  }
0x190: {  	s17 =	sadd.s32 $0x804, s10;
	s21 =	sand.u32 $0x300, s21;
	v6 =	vld [tilespmem:s11+$0x10440]  }
0x191: {  	v9 =	vld [tilespmem:s17+$0x0];
	s28 =	sadd.s32 s21, s7  }
0x192: {  	s20 =	simm.s32 $0x804;
	s24 =	sadd.s32 $0xFFFFF9FD, s4;
	v8 =	vld [tilespmem:s6+$0x10440];
	[tilespmem:s28+$0x0] =	vst v7  }
0x193: {  	s20 =	sand.u32 $0x4, s20;
	s24 =	sand.u32 $0x7FF8, s24;
	s8 =	simm.s32 $0x380;
	[tilespmem:s15+$0x40] =	vst v5;
	v7 =	vld [tilespmem:s25+$0x10410]  }
0x194: {  	s29 =	sor.u32 s20, s24;
	s24 =	sand.u32 $0x380, s8;
	v5 =	vld [tilespmem:s23+$0x10450];
	[tilespmem:s2+$0x60] =	vst v4  }
0x195: {  	s14 =	simm.s32 $0xA05;
	s22 =	sadd.s32 $0xFFFFFBFE, s4;
	s30 =	sadd.s32 s24, s7;
	[tilespmem:s19+$0x40] =	vst v6;
	v4 =	vld [tilespmem:s0+$0x10470]  }
0x196: {  	s14 =	sand.u32 $0x5, s14;
	s22 =	sand.u32 $0x7FF8, s22;
	[tilespmem:s30+$0x0] =	vst v9;
	v9 =	vld [tilespmem:s11+$0x10450]  }
0x197: {  	s21 =	simm.s32 $0xE07;
	v6 =	vld [tilespmem:s29+$0x10400];
	[tilespmem:s26+$0x40] =	vst v8;
	s0 =	sor.u32 s14, s22  }
0x198: {  	s4 =	sand.u32 $0x7FF8, s4;
	[tilespmem:s28+$0x10] =	vst v7;
	s14 =	sand.u32 $0x7, s21;
	v8 =	vld [tilespmem:s0+$0x10400]  }
0x199: {  	[tilespmem:s15+$0x50] =	vst v5;
	v5 =	vld [tilespmem:s6+$0x10450];
	s20 =	sor.u32 s14, s4  }
0x19a: {  	s24 =	simm.s32 $0x280;
	s22 =	sand.u32 $0x200, s16;
	[tilespmem:s2+$0x70] =	vst v4;
	v4 =	vld [tilespmem:s20+$0x10410]  }
0x19b: {  	v7 =	vld [tilespmem:s25+$0x10420];
	[tilespmem:s19+$0x50] =	vst v9;
	s22 =	sadd.s32 s22, s7;
	s2 =	sand.u32 $0x280, s24  }
0x19c: {  	[tilespmem:s22+$0x0] =	vst v6;
	s2 =	sadd.s32 s2, s7  }
0x19d: {  	v6 =	vld [tilespmem:s29+$0x10410];
	[tilespmem:s2+$0x0] =	vst v8  }
0x19e: {  	[tilespmem:s26+$0x50] =	vst v5;
	v8 =	vld [tilespmem:s0+$0x10410]  }
0x19f: {  	[tilespmem:s30+$0x10] =	vst v4;
	v4 =	vld [tilespmem:s11+$0x10460]  }
0x1a0: {  	[tilespmem:s28+$0x20] =	vst v7;
	v5 =	vld [tilespmem:s20+$0x10420]  }
0x1a1: {  	v7 =	vld [tilespmem:s25+$0x10430]  }
0x1a2: {  	[tilespmem:s22+$0x10] =	vst v6;
	v6 =	vld [tilespmem:s6+$0x10460]  }
0x1a3: {  	v9 =	vld [tilespmem:s29+$0x10420];
	[tilespmem:s2+$0x10] =	vst v8  }
0x1a4: {  	v10 =	vld [tilespmem:s0+$0x10420];
	[tilespmem:s19+$0x60] =	vst v4  }
0x1a5: {  	v4 =	vld [tilespmem:s23+$0x10460];
	[tilespmem:s30+$0x20] =	vst v5  }
0x1a6: {  	[tilespmem:s28+$0x30] =	vst v7;
	v5 =	vld [tilespmem:s20+$0x10430]  }
0x1a7: {  	[tilespmem:s26+$0x60] =	vst v6;
	v11 =	vld [tilespmem:s11+$0x10470]  }
0x1a8: {  	v6 =	vld [tilespmem:s25+$0x10440];
	[tilespmem:s22+$0x20] =	vst v9  }
0x1a9: {  	v8 =	vld [tilespmem:s29+$0x10430];
	[tilespmem:s2+$0x20] =	vst v10  }
0x1aa: {  	v7 =	vld [tilespmem:s0+$0x10430];
	[tilespmem:s15+$0x60] =	vst v4  }
0x1ab: {  	v4 =	vld [tilespmem:s6+$0x10470];
	[tilespmem:s30+$0x30] =	vst v5  }
0x1ac: {  	s11 =	simm.s32 $0x4;
	s6 =	simm.s32 $0x160B;
	[tilespmem:s19+$0x70] =	vst v11;
	s19 =	sadd.s32 $0x804, s17;
	v5 =	vld [tilespmem:s20+$0x10440]  }
.LBB2_15:
0x1ad: {  	_ =	sdelay $0x1  }
0x1ae: {  	[tilespmem:s22+$0x30] =	vst v8;
	v8 =	vld [tilespmem:s23+$0x10470]  }
0x1af: {  	s16 =	sadd.s32 s6, s9;
	s4 =	sadd.s32 $0xFFFFFBFE, s6;
	s7 =	sadd.s32 $0xFFFFFFFF, s6;
	[tilespmem:s28+$0x40] =	vst v6;
	v9 =	vld [tilespmem:s29+$0x10440]  }
0x1b0: {  	s21 =	sadd.s32 $0xFFFFF9FD, s6;
	s8 =	sadd.s32 $0x200, s8;
	s14 =	sadd.s32 $0xFFFFFDFF, s16;
	[tilespmem:s2+$0x30] =	vst v7;
	v6 =	vld [tilespmem:s25+$0x10450]  }
0x1b1: {  	s17 =	sadd.s32 $0xFFFFF9FD, s16;
	s7 =	sand.u32 $0x6, s7;
	s14 =	sand.u32 $0x7FF8, s14;
	[tilespmem:s30+$0x40] =	vst v5;
	v7 =	vld [tilespmem:s0+$0x10440]  }
0x1b2: {  	s24 =	sadd.s32 $0xFFFFFE80, s8;
	s21 =	sand.u32 $0x4, s21;
	s14 =	sor.u32 s7, s14;
	[tilespmem:s26+$0x70] =	vst v4;
	v5 =	vld [tilespmem:s20+$0x10450]  }
0x1b3: {  	s4 =	sand.u32 $0x5, s4;
	s7 =	sand.u32 $0x7FF8, s17;
	s17 =	rddreg [dreg:$0x5];
	v4 =	vld [tilespmem:s14+$0x10400];
	[tilespmem:s15+$0x70] =	vst v8  }
0x1b4: {  	s23 =	sadd.s32 $0xFFFFFBFE, s16;
	s7 =	sor.u32 s21, s7;
	s26 =	sadd.s32 $0xFFFFFF80, s8;
	v8 =	vld [tilespmem:s19+$0x0];
	[tilespmem:s22+$0x40] =	vst v9  }
0x1b5: {  	s23 =	sand.u32 $0x7FF8, s23;
	s21 =	sand.u32 $0x300, s26;
	s15 =	sand.u32 $0xC00, s24;
	[tilespmem:s28+$0x50] =	vst v6;
	v9 =	vld [tilespmem:s29+$0x10450]  }
0x1b6: {  	s26 =	sadd.s32 $0xFFFFFF00, s8;
	s15 =	sadd.s32 s15, s17;
	s17 =	sor.u32 s4, s23;
	[tilespmem:s2+$0x40] =	vst v7;
	v6 =	vld [tilespmem:s25+$0x10460]  }
0x1b7: {  	s23 =	sand.u32 $0x280, s26;
	s26 =	sand.u32 $0x380, s8;
	[tilespmem:s30+$0x50] =	vst v5;
	s4 =	sadd.s32 s21, s15;
	v7 =	vld [tilespmem:s7+$0x10400]  }
0x1b8: {  	s24 =	sand.u32 $0x200, s24;
	s21 =	sadd.s32 s23, s15;
	s23 =	sadd.s32 s26, s15;
	v5 =	vld [tilespmem:s17+$0x10400];
	[tilespmem:s4+$0x0] =	vst v4  }
0x1b9: {  	s24 =	sadd.s32 s24, s15;
	s15 =	sand.u32 $0x7FF8, s16;
	s16 =	sand.u32 $0x7, s6;
	v4 =	vld [tilespmem:s14+$0x10410];
	[tilespmem:s23+$0x0] =	vst v8  }
0x1ba: {  	s16 =	sor.u32 s16, s15;
	v8 =	vld [tilespmem:s0+$0x10450];
	[tilespmem:s22+$0x50] =	vst v9  }
0x1bb: {  	v9 =	vld [tilespmem:s16+$0x10410];
	[tilespmem:s28+$0x60] =	vst v6  }
0x1bc: {  	s26 =	smov.u32 s2;
	s2 =	smov.u32 s21;
	[tilespmem:s24+$0x0] =	vst v7;
	v6 =	vld [tilespmem:s25+$0x10470]  }
0x1bd: {  	[tilespmem:s2+$0x0] =	vst v5;
	v7 =	vld [tilespmem:s7+$0x10410]  }
0x1be: {  	s25 =	smov.u32 s14;
	v5 =	vld [tilespmem:s17+$0x10410];
	[tilespmem:s4+$0x10] =	vst v4  }
0x1bf: {  	s15 =	smov.u32 s30;
	s30 =	smov.u32 s23;
	v4 =	vld [tilespmem:s25+$0x10420];
	[tilespmem:s26+$0x50] =	vst v8  }
0x1c0: {  	s23 =	smov.u32 s20;
	s20 =	smov.u32 s16;
	v8 =	vld [tilespmem:s29+$0x10460];
	[tilespmem:s30+$0x10] =	vst v9  }
0x1c1: {  	v9 =	vld [tilespmem:s20+$0x10420];
	[tilespmem:s28+$0x70] =	vst v6  }
0x1c2: {  	[tilespmem:s24+$0x10] =	vst v7;
	v6 =	vld [tilespmem:s0+$0x10460]  }
0x1c3: {  	s28 =	smov.u32 s4;
	[tilespmem:s2+$0x10] =	vst v5;
	v7 =	vld [tilespmem:s7+$0x10420]  }
0x1c4: {  	v5 =	vld [tilespmem:s17+$0x10420];
	[tilespmem:s28+$0x20] =	vst v4  }
0x1c5: {  	[tilespmem:s22+$0x60] =	vst v8  }
0x1c6: {  	v4 =	vld [tilespmem:s25+$0x10430];
	[tilespmem:s30+$0x20] =	vst v9  }
0x1c7: {  	[tilespmem:s26+$0x60] =	vst v6;
	v9 =	vld [tilespmem:s23+$0x10460]  }
0x1c8: {  	s11 =	sadd.s32 $0x4, s11;
	v10 =	vld [tilespmem:s20+$0x10430];
	[tilespmem:s24+$0x20] =	vst v7  }
0x1c9: {  	p0 =	slt.u32 s11, $0x1C;
	[tilespmem:s2+$0x20] =	vst v5;
	v11 =	vld [tilespmem:s29+$0x10470]  }
.Ltmp6:
0x1ca: {  	s29 =	smov.u32 s7;
	v7 =	vld [tilespmem:s17+$0x10430];
	(pc) =	sbr.rel @p0 .LBB2_15-.Ltmp6, $4  }
0x1cb: {  	v8 =	vld [tilespmem:s29+$0x10430];
	[tilespmem:s28+$0x30] =	vst v4  }
0x1cc: {  	v4 =	vld [tilespmem:s0+$0x10470];
	[tilespmem:s15+$0x60] =	vst v9  }
0x1cd: {  	s19 =	sadd.s32 $0x804, s19;
	v6 =	vld [tilespmem:s25+$0x10440];
	[tilespmem:s30+$0x30] =	vst v10  }
0x1ce: {  	s6 =	sadd.s32 $0x804, s6;
	s0 =	smov.u32 s17;
	[tilespmem:s22+$0x70] =	vst v11;
	s22 =	smov.u32 s24;
	v5 =	vld [tilespmem:s20+$0x10440]  }
0x1cf: {  	[tilespmem:s2+$0x30] =	vst v7  }
0x1d0: {  	[tilespmem:s22+$0x30] =	vst v8;
	v7 =	vld [tilespmem:s0+$0x10440]  }
0x1d1: {  	v8 =	vld [tilespmem:s29+$0x10440];
	_ =	sdelay $0x1  }
0x1d2: {  	[tilespmem:s28+$0x40] =	vst v6  }
0x1d3: {  	v6 =	vld [tilespmem:s25+$0x10450];
	[tilespmem:s30+$0x40] =	vst v5  }
0x1d4: {  	v61 =	vld [tilespmem:s20+$0x10450];
	[tilespmem:s2+$0x40] =	vst v7  }
0x1d5: {  	[tilespmem:s22+$0x40] =	vst v8;
	v5 =	vld [tilespmem:s0+$0x10450]  }
0x1d6: {  	v8 =	vld [tilespmem:s29+$0x10450];
	_ =	sdelay $0x1  }
0x1d7: {  	[tilespmem:s28+$0x50] =	vst v6  }
0x1d8: {  	v6 =	vld [tilespmem:s25+$0x10460];
	[tilespmem:s30+$0x50] =	vst v61  }
0x1d9: {  	v63 =	vld [tilespmem:s20+$0x10460];
	[tilespmem:s2+$0x50] =	vst v5  }
0x1da: {  	[tilespmem:s22+$0x50] =	vst v8;
	v62 =	vld [tilespmem:s0+$0x10460]  }
0x1db: {  	v5 =	vld [tilespmem:s29+$0x10460]  }
0x1dc: {  	[tilespmem:s26+$0x70] =	vst v4  }
0x1dd: {  	v9 =	vld [tilespmem:s23+$0x10470];
	[tilespmem:s28+$0x60] =	vst v6  }
0x1de: {  	v6 =	vld [tilespmem:s25+$0x10470];
	[tilespmem:s30+$0x60] =	vst v63  }
0x1df: {  	v4 =	vld [tilespmem:s20+$0x10470];
	[tilespmem:s2+$0x60] =	vst v62  }
0x1e0: {  	s1 =	sadd.s32 $0x1, s1;
	[tilespmem:s22+$0x60] =	vst v5;
	v7 =	vld [tilespmem:s0+$0x10470]  }
0x1e1: {  	p0 =	sne.s32 s1, $0x4;
	v5 =	vld [tilespmem:s29+$0x10470]  }
.Ltmp7:
0x1e2: {  	[tilespmem:s15+$0x70] =	vst v9;
	(pc) =	sbr.rel @p0 .LBB2_12-.Ltmp7, $4  }
0x1e3: {  	[tilespmem:s28+$0x70] =	vst v6  }
0x1e4: {  	[tilespmem:s30+$0x70] =	vst v4  }
0x1e5: {  	[tilespmem:s2+$0x70] =	vst v7  }
0x1e6: {  	s9 =	sadd.s32 $0x80, s9;
	s3 =	sadd.s32 $0x1000, s3;
	s10 =	sadd.s32 $0x80, s10;
	[tilespmem:s22+$0x70] =	vst v5  }
0x1e7: {  	[sflag:s18] =	ssyncadd.s32 $0x1;
	s12 =	sadd.s32 $0x1, s12  }
0x1e8: {  	s0 =	rddreg [dreg:$0xe];
	_ =	swait.ge [sflag:s18], $0x1;
	p0 =	sne.s32 s12, $0x19  }
.Ltmp8:
0x1e9: {  	s0 =	sshll.u32 s0, $0x13;
	s1 =	rddreg [dreg:$0x7];
	(pc) =	sbr.rel @p0 .LBB2_2-.Ltmp8, $4  }
0x1ea: {  	s2 =	simm.s32 $0x8000;
	s0 =	sor.u32 s1, s0  }
0x1eb: {  	s3 =	simm.s32 $0xC400;
	[sflag:s18] =	ssyncset.done $0x0;
	s0 =	sshrl.u32 s0, $0x3  }
0x1ec: {  	[sflag:s18] =	ssyncadd.s32 $0xFFFFFFFF;
	s0 =	sadd.s32 s31, s0;
	s31 =	simm.s32 $0x400  }
0x1ed: {  	[hbm4b:s0+s31] =	stream.strided.scatter [tilespmem:s3], [sflag:$0x6], $0x4000, s2, s31, $0x38;
	[tilespmem:$0x15D20] =	vst v63  }
0x1ee: {  	s0 =	simm.s32 $0x5  }
0x1ef: {  	_ =	swait.ge [sflag:s0], $0x4000  }
0x1f0: {  	[sflag:s0] =	ssyncset.done $0x0  }
0x1f1: {  	s1 =	simm.s32 $0x6;
	[sflag:s0] =	ssyncadd.s32 $0xFFFFC000  }
0x1f2: {  	_ =	swait.ge [sflag:s1], $0x4000  }
0x1f3: {  	s2 =	rddreg [dreg:$0xd]  }
0x1f4: {  	s31 =	rddreg [dreg:$0xc];
	s2 =	sadd.s32 $0x1, s2  }
0x1f5: {  	p0 =	sne.s32 s2, s31  }
.Ltmp9:
0x1f6: {  	_ = 	snop;
	(pc) =	sbr.rel @p0 .LBB2_1-.Ltmp9, $3  }
0x1f7: {  	_ =	sdelay $0x1  }
0x1f8: {  	[sflag:s1] =	ssyncset.done $0x0  }
0x1f9: {  	[sflag:s1] =	ssyncadd.s32 $0xFFFFC000  }
0x1fa: {  	_ =	sfence.sel $0x180000  }
0x1fb: {  	[bflag:$0x0] =	sbarrier.arrive $0xFFFF  }
0x1fc: {  	_ =	strace $0x90000047  }
0x1fd: {  	s0 =	stileid.u32;
	[bflag:$0x2] =	sbarrier.arrive $0xFFFF  }
0x1fe: {  	p0 =	sne.s32 s0, $0x0;
	s0 =	rddreg [dreg:$0x3]  }
0x1ff: {  	s0 =	sadd.s32 @!p0 $0x100000, s0  }
0x200: {  	[sflag:s0] =	ssyncadd.tile.s32 @!p0 $0x1;
	_ =	shalt  }
.Lfunc_end2:
_tile_overlayer_lowered:
.L_overlay_start_2:
0x201: {  	(tag) =	ssettag $0x2  }
0x202: {  	s0 =	rddreg [dreg:$0x0];
	s2 =	stileid.u32  }
0x203: {  	s1 =	rddreg [dreg:$0x1];
	p0 =	sne.s32 s2, $0x0  }
0x204: {  	s3 =	rddreg [dreg:$0x2];
	[bflag:$0x3] =	sbarrier.arrive $0xFFFF;
	s2 =	simm.s32 @!p0 $0x1C08  }
0x205: {  	[timem:s3], [sflag:s2] =	dma.local @!p0 [hbm:s0], s1  }
0x206: {  	s0 =	simm.s32 @!p0 $0x8  }
0x207: {  	_ =	swait.ge @!p0 [sflag:s0], s1  }
0x208: {  	s1 =	ssub.s32 @!p0 $0x0, s1;
	[sflag:s0] =	ssyncset.done @!p0 $0x0  }
0x209: {  	[sflag:s0] =	ssyncadd.s32 @!p0 s1  }
0x20a: {  	[bflag:$0x3] =	sbarrier.arrive $0xFFFF  }
0x20b: {  	_ =	shalt  }

</sc_bundles>
